<compile_context>
chip_gen: v7x
topology: tpu7x:2x2x1
jax: 0.10.2.dev20260603
libtpu: 0.0.44.dev20260713+nightly
codegen_flags: <defaults>
</compile_context>

<pallas_src>
import jax
import jax.numpy as jnp
from jax import lax
from jax.experimental import pallas as pl
from jax.experimental.pallas import tpu as pltpu
from jax.experimental.pallas import tpu_sc as plsc

N_NODES = 50000
N_EDGES = 3200000
CUTOFF = 10.0
CUTOFF_SR = 5.0
KEHALF = 7.199822675975274

NC = 2
NS = 16
NW = NC * NS
LANES = 16

E_W = N_EDGES // NW
CHUNK = 2000
N_CHUNKS = E_W // CHUNK
VECS = CHUNK // LANES

SLICE = 3200
N_PAD = NS * SLICE


def _rsqrt(s, iters):
    xi = plsc.bitcast(s, jnp.int32)
    yi = jnp.int32(0x5F3759DF) - lax.shift_right_logical(xi, jnp.int32(1))
    y = plsc.bitcast(yi, jnp.float32)
    half_s = 0.5 * s
    for _ in range(iters):
        y = y * (1.5 - half_s * y * y)
    return y


def _sc_body(q_hbm, d_hbm, ii_hbm, jj_hbm, out_hbm,
             q_v, acc_v, d_v0, ii_v0, jj_v0, d_v1, ii_v1, jj_v1,
             sem0, sem1):
    cid = lax.axis_index("c")
    sid = lax.axis_index("s")
    wid = sid * NC + cid
    ebase = wid * E_W

    inv_c2 = 1.0 / (CUTOFF * CUTOFF)
    two_over_c = 2.0 / CUTOFF
    PA = -10.0 / CUTOFF_SR**3
    PB = 15.0 / CUTOFF_SR**4
    PC = -6.0 / CUTOFF_SR**5

    bufs = ((d_v0, ii_v0, jj_v0, sem0), (d_v1, ii_v1, jj_v1, sem1))

    def start(k, p):
        d_b, ii_b, jj_b, sem = bufs[p]
        base = ebase + k * CHUNK
        pltpu.async_copy(d_hbm.at[pl.ds(base, CHUNK)], d_b, sem)
        pltpu.async_copy(ii_hbm.at[pl.ds(base, CHUNK)], ii_b, sem)
        pltpu.async_copy(jj_hbm.at[pl.ds(base, CHUNK)], jj_b, sem)

    def wait(k, p):
        d_b, ii_b, jj_b, sem = bufs[p]
        base = ebase + k * CHUNK
        pltpu.make_async_copy(d_hbm.at[pl.ds(base, CHUNK)], d_b, sem).wait()
        pltpu.make_async_copy(ii_hbm.at[pl.ds(base, CHUNK)], ii_b, sem).wait()
        pltpu.make_async_copy(jj_hbm.at[pl.ds(base, CHUNK)], jj_b, sem).wait()

    with jax.named_scope("qcopy"):
        pltpu.sync_copy(q_hbm, q_v)

    zeros = jnp.zeros((LANES,), jnp.float32)

    def zero_body(v, _):
        acc_v[pl.ds(v * LANES, LANES)] = zeros
        return _

    with jax.named_scope("zero"):
        lax.fori_loop(0, N_PAD // LANES, zero_body, 0, unroll=4)

    start(0, 0)
    lane_off = lax.iota(jnp.int32, LANES) * VECS

    def process(p):
        d_b, ii_b, jj_b, _ = bufs[p]

        @plsc.parallel_loop(0, VECS, step=1, unroll=25)
        def vec_body(v):
            iv = lane_off + v
            ii = plsc.load_gather(ii_b, [iv])
            jj = plsc.load_gather(jj_b, [iv])
            d = plsc.load_gather(d_b, [iv])
            qi = plsc.load_gather(q_v, [ii])
            qj = plsc.load_gather(q_v, [jj])

            d2 = d * d
            s = d2 + 1.0
            m = d2 * s
            r = _rsqrt(m, 2)
            inv_ds = d * r
            ds = s * inv_ds
            inv_d = ds * r

            d3 = d2 * d
            p = PA + d * (PB + PC * d)
            fx = 1.0 + d3 * p
            sw_off = jnp.where(d < CUTOFF_SR, fx, 0.0)

            e_ord = inv_d + d * inv_c2 - two_over_c
            diff = (inv_ds - inv_d) + (ds - d) * inv_c2
            e = (KEHALF * qi) * qj * (e_ord + sw_off * diff)
            e = jnp.where(d <= CUTOFF, e, 0.0)
            plsc.addupdate_scatter(acc_v, [ii], e)

    def chunk_body(k, _):
        for p in range(2):
            kk = 2 * k + p

            @pl.when(kk + 1 < N_CHUNKS)
            def _start():
                start(kk + 1, 1 - p)

            wait(kk, p)
            process(p)
        return _

    with jax.named_scope("main"):
        lax.fori_loop(0, N_CHUNKS // 2, chunk_body, 0)
        if N_CHUNKS % 2:
            wait(N_CHUNKS - 1, (N_CHUNKS - 1) % 2)
            process((N_CHUNKS - 1) % 2)

    with jax.named_scope("wout"):
        pltpu.sync_copy(acc_v, out_hbm.at[pl.ds(wid * N_PAD, N_PAD)])


def _combine_body(parts_ref, o_ref):
    o_ref[...] = jnp.sum(parts_ref[...], axis=0)


@jax.jit
def kernel(atomic_charges, distances, idx_i, idx_j):
    mesh = plsc.VectorSubcoreMesh(core_axis_name="c", subcore_axis_name="s")
    sc_fn = pl.kernel(
        _sc_body,
        out_type=jax.ShapeDtypeStruct((NW * N_PAD,), jnp.float32),
        mesh=mesh,
        compiler_params=pltpu.CompilerParams(needs_layout_passes=False),
        scratch_types=[
            pltpu.VMEM((N_NODES,), jnp.float32),
            pltpu.VMEM((N_PAD,), jnp.float32),
            pltpu.VMEM((CHUNK,), jnp.float32),
            pltpu.VMEM((CHUNK,), jnp.int32),
            pltpu.VMEM((CHUNK,), jnp.int32),
            pltpu.VMEM((CHUNK,), jnp.float32),
            pltpu.VMEM((CHUNK,), jnp.int32),
            pltpu.VMEM((CHUNK,), jnp.int32),
            pltpu.SemaphoreType.DMA,
            pltpu.SemaphoreType.DMA,
        ],
    )
    parts = sc_fn(atomic_charges, distances, idx_i, idx_j)

    return parts[:N_NODES]

# --- scband reference (transcript-rebuilt; emitter-appended) ---
"""Pipeline reference for scband-pc-shielded-electrostatics-21861383536754 (READ-ONLY COPY).

The authoritative reference and input builder live on the scoring server;
editing this copy changes nothing except your own understanding.
"""

import jax, jax.numpy as jnp
import numpy as np

N_NODES = 50000
N_EDGES = 3200000
CUTOFF = 10.0
CUTOFF_SR = 5.0
KEHALF = 7.199822675975274


def poly6_switch(d, cutoff):
    # Poly6 smooth switch: 1 at d=0, 0 at d>=cutoff, zero 1st/2nd derivatives at ends
    x = d / cutoff
    fx = 1.0 - 6.0 * x ** 5 + 15.0 * x ** 4 - 10.0 * x ** 3
    return jnp.where(d < cutoff, fx, jnp.zeros_like(fx))


def setup_inputs(seed: int = 0) -> dict:
    key = jax.random.key(seed)
    k1, k2, k3, k4 = jax.random.split(key, 4)
    atomic_charges = jax.random.normal(k1, (N_NODES,), dtype=jnp.float32) * 0.5
    # pair distances in a physically sensible range, strictly positive, extending past cutoff
    distances = jax.random.uniform(k2, (N_EDGES,), dtype=jnp.float32, minval=0.1, maxval=12.0)
    idx_i = jnp.sort(jax.random.randint(k3, (N_EDGES,), 0, N_NODES, dtype=jnp.int32))
    idx_j = jax.random.randint(k4, (N_EDGES,), 0, N_NODES, dtype=jnp.int32)
    return {"atomic_charges": atomic_charges, "distances": distances, "idx_i": idx_i, "idx_j": idx_j}


def reference(atomic_charges, distances, idx_i, idx_j):
    cutoff = CUTOFF
    cutoff_squared = cutoff * cutoff
    # gather per-pair charges
    qi = jnp.take(atomic_charges, idx_i, axis=0)
    qj = jnp.take(atomic_charges, idx_j, axis=0)
    distances_shielded = jnp.sqrt(distances ** 2 + 1.0)
    switch_off = poly6_switch(distances, CUTOFF_SR)
    switch_on = 1.0 - switch_off
    # split_distance == True since cutoff != cutoff_short_range
    E_ordinary = 1.0 / distances + distances / cutoff_squared - 2.0 / cutoff
    E_shielded = 1.0 / distances_shielded + distances_shielded / cutoff_squared - 2.0 / cutoff
    E = KEHALF * qi * qj * (switch_off * E_shielded + switch_on * E_ordinary)
    E = jnp.where(distances <= cutoff, E, jnp.zeros_like(E))
    # segment_sum over first atom index -> per-atom energy contribution
    return jax.ops.segment_sum(E, idx_i, num_segments=N_NODES)

if __name__ == "__main__":
    import jax
    _d = setup_inputs()
    print(jax.jit(kernel)(*tuple(_d.values())))

</pallas_src>

<mosaic_0001>
#map = affine_map<(d0, d1) -> (0)>
module attributes {stable_mosaic.version = 14 : i64} {
  func.func @_sc_body(%arg0: i32, %arg1: i32, %arg2: memref<50000xf32, #tpu.memory_space<hbm>>, %arg3: memref<3200000xf32, #tpu.memory_space<hbm>>, %arg4: memref<3200000xi32, #tpu.memory_space<hbm>>, %arg5: memref<3200000xi32, #tpu.memory_space<hbm>>, %arg6: memref<1638400xf32, #tpu.memory_space<hbm>>, %arg7: memref<50000xf32, #tpu.memory_space<vmem>>, %arg8: memref<51200xf32, #tpu.memory_space<vmem>>, %arg9: memref<2000xf32, #tpu.memory_space<vmem>>, %arg10: memref<2000xi32, #tpu.memory_space<vmem>>, %arg11: memref<2000xi32, #tpu.memory_space<vmem>>, %arg12: memref<2000xf32, #tpu.memory_space<vmem>>, %arg13: memref<2000xi32, #tpu.memory_space<vmem>>, %arg14: memref<2000xi32, #tpu.memory_space<vmem>>, %arg15: memref<!tpu.dma_semaphore, #tpu.memory_space<semaphore_mem>>, %arg16: memref<!tpu.dma_semaphore, #tpu.memory_space<semaphore_mem>>) attributes {dimension_semantics = [#tpu.dimension_semantics<core_parallel>, #tpu.dimension_semantics<subcore_parallel>], iteration_bounds = array<i64: 2, 16>, scalar_prefetch = 0 : i64, scratch_operands = 10 : i64, tpu.core_type = #tpu.core_type<sc_vector_subcore>, window_params = [{transform_indices = #map}, {transform_indices = #map}, {transform_indices = #map}, {transform_indices = #map}, {transform_indices = #map}]} {
    %mul3A = arith.constant 2 : i32
    %mul3A_0 = arith.muli %arg1, %mul3A : i32
    %add3A = arith.addi %mul3A_0, %arg0 : i32
    %mul3A_1 = arith.constant 100000 : i32
    %mul3A_2 = arith.muli %add3A, %mul3A_1 : i32
    "tpu.trace_start"() <{level = 10 : i32, message = "qcopy"}> : () -> ()
    "tpu.region"() ({
      %run_scoped3A = tpu.sem_alloc : memref<!tpu.dma_semaphore, #tpu.memory_space<semaphore_mem>>
      tpu.enqueue_dma source(%arg2 : memref<50000xf32, #tpu.memory_space<hbm>>) target(%arg7 : memref<50000xf32, #tpu.memory_space<vmem>>) target_semaphore(%run_scoped3A : memref<!tpu.dma_semaphore, #tpu.memory_space<semaphore_mem>>)
      tpu.wait_dma2 semaphore(%run_scoped3A : memref<!tpu.dma_semaphore, #tpu.memory_space<semaphore_mem>>) src(%arg2 : memref<50000xf32, #tpu.memory_space<hbm>>) dst(%arg7 : memref<50000xf32, #tpu.memory_space<vmem>>)
      tpu.yield
    }) : () -> ()
    %broadcast_in_dim3A = arith.constant 0.000000e+00 : f32
    "tpu.trace_stop"() : () -> ()
    %broadcast_in_dim3A_3 = vector.broadcast %broadcast_in_dim3A : f32 to vector<16xf32>
    "tpu.trace_start"() <{level = 10 : i32, message = "zero"}> : () -> ()
    %scan3A = arith.constant 0 : i32
    %scan3A_4 = arith.constant 0 : i32
    %scan3A_5 = arith.constant 3200 : i32
    %scan3A_6 = arith.addi %scan3A_4, %scan3A_5 : i32
    %scan3A_7 = arith.constant 4 : i32
    scf.for %scan3A_27 = %scan3A_4 to %scan3A_6 step %scan3A_7  : i32 {
      %mul3A_28 = arith.constant 16 : i32
      %mul3A_29 = arith.muli %scan3A_27, %mul3A_28 : i32
      %swap3A = arith.index_cast %mul3A_29 : i32 to index
      %swap3A_30 = tpu.vector_load %arg8[%swap3A] {strides = array<i32>} : memref<51200xf32, #tpu.memory_space<vmem>>, vector<16xf32>,
      tpu.vector_store %arg8[%swap3A], %broadcast_in_dim3A_3 {strides = array<i32>} : memref<51200xf32, #tpu.memory_space<vmem>>, vector<16xf32>,
      %scan3A_31 = arith.constant 1 : i32
      %scan3A_32 = arith.addi %scan3A_27, %scan3A_31 : i32
      %mul3A_33 = arith.constant 16 : i32
      %mul3A_34 = arith.muli %scan3A_32, %mul3A_33 : i32
      %swap3A_35 = arith.index_cast %mul3A_34 : i32 to index
      %swap3A_36 = tpu.vector_load %arg8[%swap3A_35] {strides = array<i32>} : memref<51200xf32, #tpu.memory_space<vmem>>, vector<16xf32>,
      tpu.vector_store %arg8[%swap3A_35], %broadcast_in_dim3A_3 {strides = array<i32>} : memref<51200xf32, #tpu.memory_space<vmem>>, vector<16xf32>,
      %scan3A_37 = arith.constant 2 : i32
      %scan3A_38 = arith.addi %scan3A_27, %scan3A_37 : i32
      %mul3A_39 = arith.constant 16 : i32
      %mul3A_40 = arith.muli %scan3A_38, %mul3A_39 : i32
      %swap3A_41 = arith.index_cast %mul3A_40 : i32 to index
      %swap3A_42 = tpu.vector_load %arg8[%swap3A_41] {strides = array<i32>} : memref<51200xf32, #tpu.memory_space<vmem>>, vector<16xf32>,
      tpu.vector_store %arg8[%swap3A_41], %broadcast_in_dim3A_3 {strides = array<i32>} : memref<51200xf32, #tpu.memory_space<vmem>>, vector<16xf32>,
      %scan3A_43 = arith.constant 3 : i32
      %scan3A_44 = arith.addi %scan3A_27, %scan3A_43 : i32
      %mul3A_45 = arith.constant 16 : i32
      %mul3A_46 = arith.muli %scan3A_44, %mul3A_45 : i32
      %swap3A_47 = arith.index_cast %mul3A_46 : i32 to index
      %swap3A_48 = tpu.vector_load %arg8[%swap3A_47] {strides = array<i32>} : memref<51200xf32, #tpu.memory_space<vmem>>, vector<16xf32>,
      tpu.vector_store %arg8[%swap3A_47], %broadcast_in_dim3A_3 {strides = array<i32>} : memref<51200xf32, #tpu.memory_space<vmem>>, vector<16xf32>,
    }
    %scan3A_8 = arith.constant 3200 : i32
    "tpu.trace_stop"() : () -> ()
    %add3A_9 = arith.constant 0 : i32
    %add3A_10 = arith.addi %mul3A_2, %add3A_9 : i32
    %dma_start3A = tpu.memref_slice %arg3[%add3A_10] : memref<3200000xf32, #tpu.memory_space<hbm>> -> memref<2000xf32, #tpu.memory_space<hbm>>
    %dma_start3A_11 = tpu.memref_slice %arg3[%add3A_10] : memref<3200000xf32, #tpu.memory_space<hbm>> -> memref<2000xf32, #tpu.memory_space<hbm>>
    tpu.enqueue_dma source(%dma_start3A_11 : memref<2000xf32, #tpu.memory_space<hbm>>) target(%arg9 : memref<2000xf32, #tpu.memory_space<vmem>>) target_semaphore(%arg15 : memref<!tpu.dma_semaphore, #tpu.memory_space<semaphore_mem>>)
    %dma_start3A_12 = tpu.memref_slice %arg4[%add3A_10] : memref<3200000xi32, #tpu.memory_space<hbm>> -> memref<2000xi32, #tpu.memory_space<hbm>>
    %dma_start3A_13 = tpu.memref_slice %arg4[%add3A_10] : memref<3200000xi32, #tpu.memory_space<hbm>> -> memref<2000xi32, #tpu.memory_space<hbm>>
    tpu.enqueue_dma source(%dma_start3A_13 : memref<2000xi32, #tpu.memory_space<hbm>>) target(%arg10 : memref<2000xi32, #tpu.memory_space<vmem>>) target_semaphore(%arg15 : memref<!tpu.dma_semaphore, #tpu.memory_space<semaphore_mem>>)
    %dma_start3A_14 = tpu.memref_slice %arg5[%add3A_10] : memref<3200000xi32, #tpu.memory_space<hbm>> -> memref<2000xi32, #tpu.memory_space<hbm>>
    %dma_start3A_15 = tpu.memref_slice %arg5[%add3A_10] : memref<3200000xi32, #tpu.memory_space<hbm>> -> memref<2000xi32, #tpu.memory_space<hbm>>
    tpu.enqueue_dma source(%dma_start3A_15 : memref<2000xi32, #tpu.memory_space<hbm>>) target(%arg11 : memref<2000xi32, #tpu.memory_space<vmem>>) target_semaphore(%arg15 : memref<!tpu.dma_semaphore, #tpu.memory_space<semaphore_mem>>)
    %iota3A = tpu.iota {dimensions = array<i32: 0>} : vector<16xi32>
    %mul3A_16 = arith.constant 125 : i32
    %mul3A_17 = vector.broadcast %mul3A_16 : i32 to vector<16xi32>
    %mul3A_18 = arith.muli %iota3A, %mul3A_17 : vector<16xi32>
    "tpu.trace_start"() <{level = 10 : i32, message = "main"}> : () -> ()
    %scan3A_19 = arith.constant 0 : i32
    %scan3A_20 = arith.constant 0 : i32
    %scan3A_21 = arith.constant 25 : i32
    %scan3A_22 = arith.addi %scan3A_20, %scan3A_21 : i32
    %scan3A_23 = arith.constant 1 : i32
    scf.for %scan3A_27 = %scan3A_20 to %scan3A_22 step %scan3A_23  : i32 {
      %mul3A_28 = arith.constant 2 : i32
      %mul3A_29 = arith.muli %mul3A_28, %scan3A_27 : i32
      %add3A_30 = arith.constant 0 : i32
      %add3A_31 = arith.addi %mul3A_29, %add3A_30 : i32
      %add3A_32 = arith.constant 1 : i32
      %add3A_33 = arith.addi %add3A_31, %add3A_32 : i32
      %lt3A = arith.constant 50 : i32
      %lt3A_34 = arith.cmpi slt, %add3A_33, %lt3A : i32
      %convert_element_type3A = arith.extui %lt3A_34 : i1 to i32
      %cond3A = arith.constant 0 : i32
      %cond3A_35 = arith.cmpi ne, %convert_element_type3A, %cond3A : i32
      scf.if %cond3A_35 {
        %add3A_69 = arith.constant 1 : i32
        %add3A_70 = arith.addi %add3A_31, %add3A_69 : i32
        %mul3A_71 = arith.constant 2000 : i32
        %mul3A_72 = arith.muli %add3A_70, %mul3A_71 : i32
        %add3A_73 = arith.addi %mul3A_2, %mul3A_72 : i32
        %dma_start3A_74 = tpu.memref_slice %arg3[%add3A_73] : memref<3200000xf32, #tpu.memory_space<hbm>> -> memref<2000xf32, #tpu.memory_space<hbm>>
        %dma_start3A_75 = tpu.memref_slice %arg3[%add3A_73] : memref<3200000xf32, #tpu.memory_space<hbm>> -> memref<2000xf32, #tpu.memory_space<hbm>>
        tpu.enqueue_dma source(%dma_start3A_75 : memref<2000xf32, #tpu.memory_space<hbm>>) target(%arg12 : memref<2000xf32, #tpu.memory_space<vmem>>) target_semaphore(%arg16 : memref<!tpu.dma_semaphore, #tpu.memory_space<semaphore_mem>>)
        %dma_start3A_76 = tpu.memref_slice %arg4[%add3A_73] : memref<3200000xi32, #tpu.memory_space<hbm>> -> memref<2000xi32, #tpu.memory_space<hbm>>
        %dma_start3A_77 = tpu.memref_slice %arg4[%add3A_73] : memref<3200000xi32, #tpu.memory_space<hbm>> -> memref<2000xi32, #tpu.memory_space<hbm>>
        tpu.enqueue_dma source(%dma_start3A_77 : memref<2000xi32, #tpu.memory_space<hbm>>) target(%arg13 : memref<2000xi32, #tpu.memory_space<vmem>>) target_semaphore(%arg16 : memref<!tpu.dma_semaphore, #tpu.memory_space<semaphore_mem>>)
        %dma_start3A_78 = tpu.memref_slice %arg5[%add3A_73] : memref<3200000xi32, #tpu.memory_space<hbm>> -> memref<2000xi32, #tpu.memory_space<hbm>>
        %dma_start3A_79 = tpu.memref_slice %arg5[%add3A_73] : memref<3200000xi32, #tpu.memory_space<hbm>> -> memref<2000xi32, #tpu.memory_space<hbm>>
        tpu.enqueue_dma source(%dma_start3A_79 : memref<2000xi32, #tpu.memory_space<hbm>>) target(%arg14 : memref<2000xi32, #tpu.memory_space<vmem>>) target_semaphore(%arg16 : memref<!tpu.dma_semaphore, #tpu.memory_space<semaphore_mem>>)
      } else {
      }
      %mul3A_36 = arith.constant 2000 : i32
      %mul3A_37 = arith.muli %add3A_31, %mul3A_36 : i32
      %add3A_38 = arith.addi %mul3A_2, %mul3A_37 : i32
      %dma_wait3A = tpu.memref_slice %arg3[%add3A_38] : memref<3200000xf32, #tpu.memory_space<hbm>> -> memref<2000xf32, #tpu.memory_space<hbm>>
      %dma_wait3A_39 = tpu.memref_slice %arg3[%add3A_38] : memref<3200000xf32, #tpu.memory_space<hbm>> -> memref<2000xf32, #tpu.memory_space<hbm>>
      tpu.wait_dma2 semaphore(%arg15 : memref<!tpu.dma_semaphore, #tpu.memory_space<semaphore_mem>>) src(%dma_wait3A_39 : memref<2000xf32, #tpu.memory_space<hbm>>) dst(%arg9 : memref<2000xf32, #tpu.memory_space<vmem>>)
      %dma_wait3A_40 = tpu.memref_slice %arg4[%add3A_38] : memref<3200000xi32, #tpu.memory_space<hbm>> -> memref<2000xi32, #tpu.memory_space<hbm>>
      %dma_wait3A_41 = tpu.memref_slice %arg4[%add3A_38] : memref<3200000xi32, #tpu.memory_space<hbm>> -> memref<2000xi32, #tpu.memory_space<hbm>>
      tpu.wait_dma2 semaphore(%arg15 : memref<!tpu.dma_semaphore, #tpu.memory_space<semaphore_mem>>) src(%dma_wait3A_41 : memref<2000xi32, #tpu.memory_space<hbm>>) dst(%arg10 : memref<2000xi32, #tpu.memory_space<vmem>>)
      %dma_wait3A_42 = tpu.memref_slice %arg5[%add3A_38] : memref<3200000xi32, #tpu.memory_space<hbm>> -> memref<2000xi32, #tpu.memory_space<hbm>>
      %dma_wait3A_43 = tpu.memref_slice %arg5[%add3A_38] : memref<3200000xi32, #tpu.memory_space<hbm>> -> memref<2000xi32, #tpu.memory_space<hbm>>
      tpu.wait_dma2 semaphore(%arg15 : memref<!tpu.dma_semaphore, #tpu.memory_space<semaphore_mem>>) src(%dma_wait3A_43 : memref<2000xi32, #tpu.memory_space<hbm>>) dst(%arg11 : memref<2000xi32, #tpu.memory_space<vmem>>)
      %parallel_loop3A = arith.constant 0 : i32
      %parallel_loop3A_44 = arith.constant 125 : i32
      %parallel_loop3A_45 = arith.constant 1 : i32
      scf.for %parallel_loop3A_69 = %parallel_loop3A to %parallel_loop3A_44 step %parallel_loop3A_45  : i32 {
        %parallel_loop3A_70 = vector.broadcast %parallel_loop3A_69 : i32 to vector<16xi32>
        %parallel_loop3A_71 = arith.addi %mul3A_18, %parallel_loop3A_70 : vector<16xi32>
        %parallel_loop3A_72 = tpu.vector_load_idx %arg10[%parallel_loop3A_71] : memref<2000xi32, #tpu.memory_space<vmem>>[vector<16xi32>], vector<16xi32>,
        %parallel_loop3A_73 = tpu.vector_load_idx %arg11[%parallel_loop3A_71] : memref<2000xi32, #tpu.memory_space<vmem>>[vector<16xi32>], vector<16xi32>,
        %parallel_loop3A_74 = tpu.vector_load_idx %arg9[%parallel_loop3A_71] : memref<2000xf32, #tpu.memory_space<vmem>>[vector<16xi32>], vector<16xf32>,
        %parallel_loop3A_75 = tpu.vector_load_idx %arg7[%parallel_loop3A_72] : memref<50000xf32, #tpu.memory_space<vmem>>[vector<16xi32>], vector<16xf32>,
        %parallel_loop3A_76 = tpu.vector_load_idx %arg7[%parallel_loop3A_73] : memref<50000xf32, #tpu.memory_space<vmem>>[vector<16xi32>], vector<16xf32>,
        %parallel_loop3A_77 = arith.mulf %parallel_loop3A_74, %parallel_loop3A_74 : vector<16xf32>
        %parallel_loop3A_78 = arith.constant 1.000000e+00 : f32
        %parallel_loop3A_79 = vector.broadcast %parallel_loop3A_78 : f32 to vector<16xf32>
        %parallel_loop3A_80 = arith.addf %parallel_loop3A_77, %parallel_loop3A_79 : vector<16xf32>
        %parallel_loop3A_81 = arith.mulf %parallel_loop3A_77, %parallel_loop3A_80 : vector<16xf32>
        %parallel_loop3A_82 = vector.bitcast %parallel_loop3A_81 : vector<16xf32> to vector<16xi32>
        %parallel_loop3A_83 = arith.constant 1 : i32
        %parallel_loop3A_84 = vector.broadcast %parallel_loop3A_83 : i32 to vector<16xi32>
        %parallel_loop3A_85 = arith.shrui %parallel_loop3A_82, %parallel_loop3A_84 : vector<16xi32>
        %parallel_loop3A_86 = arith.constant 1597463007 : i32
        %parallel_loop3A_87 = vector.broadcast %parallel_loop3A_86 : i32 to vector<16xi32>
        %parallel_loop3A_88 = arith.subi %parallel_loop3A_87, %parallel_loop3A_85 : vector<16xi32>
        %parallel_loop3A_89 = vector.bitcast %parallel_loop3A_88 : vector<16xi32> to vector<16xf32>
        %parallel_loop3A_90 = arith.constant 5.000000e-01 : f32
        %parallel_loop3A_91 = vector.broadcast %parallel_loop3A_90 : f32 to vector<16xf32>
        %parallel_loop3A_92 = arith.mulf %parallel_loop3A_91, %parallel_loop3A_81 : vector<16xf32>
        %parallel_loop3A_93 = arith.mulf %parallel_loop3A_92, %parallel_loop3A_89 : vector<16xf32>
        %parallel_loop3A_94 = arith.mulf %parallel_loop3A_93, %parallel_loop3A_89 : vector<16xf32>
        %parallel_loop3A_95 = arith.constant 1.500000e+00 : f32
        %parallel_loop3A_96 = vector.broadcast %parallel_loop3A_95 : f32 to vector<16xf32>
        %parallel_loop3A_97 = arith.subf %parallel_loop3A_96, %parallel_loop3A_94 : vector<16xf32>
        %parallel_loop3A_98 = arith.mulf %parallel_loop3A_89, %parallel_loop3A_97 : vector<16xf32>
        %parallel_loop3A_99 = arith.mulf %parallel_loop3A_92, %parallel_loop3A_98 : vector<16xf32>
        %parallel_loop3A_100 = arith.mulf %parallel_loop3A_99, %parallel_loop3A_98 : vector<16xf32>
        %parallel_loop3A_101 = arith.constant 1.500000e+00 : f32
        %parallel_loop3A_102 = vector.broadcast %parallel_loop3A_101 : f32 to vector<16xf32>
        %parallel_loop3A_103 = arith.subf %parallel_loop3A_102, %parallel_loop3A_100 : vector<16xf32>
        %parallel_loop3A_104 = arith.mulf %parallel_loop3A_98, %parallel_loop3A_103 : vector<16xf32>
        %parallel_loop3A_105 = arith.mulf %parallel_loop3A_74, %parallel_loop3A_104 : vector<16xf32>
        %parallel_loop3A_106 = arith.mulf %parallel_loop3A_80, %parallel_loop3A_105 : vector<16xf32>
        %parallel_loop3A_107 = arith.mulf %parallel_loop3A_106, %parallel_loop3A_104 : vector<16xf32>
        %parallel_loop3A_108 = arith.mulf %parallel_loop3A_77, %parallel_loop3A_74 : vector<16xf32>
        %parallel_loop3A_109 = arith.constant -1.920000e-03 : f32
        %parallel_loop3A_110 = vector.broadcast %parallel_loop3A_109 : f32 to vector<16xf32>
        %parallel_loop3A_111 = arith.mulf %parallel_loop3A_110, %parallel_loop3A_74 : vector<16xf32>
        %parallel_loop3A_112 = arith.constant 2.400000e-02 : f32
        %parallel_loop3A_113 = vector.broadcast %parallel_loop3A_112 : f32 to vector<16xf32>
        %parallel_loop3A_114 = arith.addf %parallel_loop3A_113, %parallel_loop3A_111 : vector<16xf32>
        %parallel_loop3A_115 = arith.mulf %parallel_loop3A_74, %parallel_loop3A_114 : vector<16xf32>
        %parallel_loop3A_116 = arith.constant -8.000000e-02 : f32
        %parallel_loop3A_117 = vector.broadcast %parallel_loop3A_116 : f32 to vector<16xf32>
        %parallel_loop3A_118 = arith.addf %parallel_loop3A_117, %parallel_loop3A_115 : vector<16xf32>
        %parallel_loop3A_119 = arith.mulf %parallel_loop3A_108, %parallel_loop3A_118 : vector<16xf32>
        %parallel_loop3A_120 = arith.constant 1.000000e+00 : f32
        %parallel_loop3A_121 = vector.broadcast %parallel_loop3A_120 : f32 to vector<16xf32>
        %parallel_loop3A_122 = arith.addf %parallel_loop3A_121, %parallel_loop3A_119 : vector<16xf32>
        %parallel_loop3A_123 = arith.constant 5.000000e+00 : f32
        %parallel_loop3A_124 = vector.broadcast %parallel_loop3A_123 : f32 to vector<16xf32>
        %parallel_loop3A_125 = arith.cmpf olt, %parallel_loop3A_74, %parallel_loop3A_124 : vector<16xf32>
        %parallel_loop3A_126 = arith.constant 0.000000e+00 : f32
        %parallel_loop3A_127 = vector.broadcast %parallel_loop3A_126 : f32 to vector<16xf32>
        %parallel_loop3A_128 = arith.select %parallel_loop3A_125, %parallel_loop3A_122, %parallel_loop3A_127 : vector<16xi1>, vector<16xf32>
        %parallel_loop3A_129 = arith.constant 0.00999999977 : f32
        %parallel_loop3A_130 = vector.broadcast %parallel_loop3A_129 : f32 to vector<16xf32>
        %parallel_loop3A_131 = arith.mulf %parallel_loop3A_74, %parallel_loop3A_130 : vector<16xf32>
        %parallel_loop3A_132 = arith.addf %parallel_loop3A_107, %parallel_loop3A_131 : vector<16xf32>
        %parallel_loop3A_133 = arith.constant 2.000000e-01 : f32
        %parallel_loop3A_134 = vector.broadcast %parallel_loop3A_133 : f32 to vector<16xf32>
        %parallel_loop3A_135 = arith.subf %parallel_loop3A_132, %parallel_loop3A_134 : vector<16xf32>
        %parallel_loop3A_136 = arith.subf %parallel_loop3A_105, %parallel_loop3A_107 : vector<16xf32>
        %parallel_loop3A_137 = arith.subf %parallel_loop3A_106, %parallel_loop3A_74 : vector<16xf32>
        %parallel_loop3A_138 = arith.constant 0.00999999977 : f32
        %parallel_loop3A_139 = vector.broadcast %parallel_loop3A_138 : f32 to vector<16xf32>
        %parallel_loop3A_140 = arith.mulf %parallel_loop3A_137, %parallel_loop3A_139 : vector<16xf32>
        %parallel_loop3A_141 = arith.addf %parallel_loop3A_136, %parallel_loop3A_140 : vector<16xf32>
        %parallel_loop3A_142 = arith.constant 7.1998229 : f32
        %parallel_loop3A_143 = vector.broadcast %parallel_loop3A_142 : f32 to vector<16xf32>
        %parallel_loop3A_144 = arith.mulf %parallel_loop3A_143, %parallel_loop3A_75 : vector<16xf32>
        %parallel_loop3A_145 = arith.mulf %parallel_loop3A_144, %parallel_loop3A_76 : vector<16xf32>
        %parallel_loop3A_146 = arith.mulf %parallel_loop3A_128, %parallel_loop3A_141 : vector<16xf32>
        %parallel_loop3A_147 = arith.addf %parallel_loop3A_135, %parallel_loop3A_146 : vector<16xf32>
        %parallel_loop3A_148 = arith.mulf %parallel_loop3A_145, %parallel_loop3A_147 : vector<16xf32>
        %parallel_loop3A_149 = arith.constant 1.000000e+01 : f32
        %parallel_loop3A_150 = vector.broadcast %parallel_loop3A_149 : f32 to vector<16xf32>
        %parallel_loop3A_151 = arith.cmpf ole, %parallel_loop3A_74, %parallel_loop3A_150 : vector<16xf32>
        %parallel_loop3A_152 = arith.constant 0.000000e+00 : f32
        %parallel_loop3A_153 = vector.broadcast %parallel_loop3A_152 : f32 to vector<16xf32>
        %parallel_loop3A_154 = arith.select %parallel_loop3A_151, %parallel_loop3A_148, %parallel_loop3A_153 : vector<16xi1>, vector<16xf32>
        tpu.vector_store_idx %arg8[%parallel_loop3A_72], %parallel_loop3A_154 {add = true} : memref<51200xf32, #tpu.memory_space<vmem>>[vector<16xi32>], vector<16xf32>,
      } {sc.loop_unroll_factor = 25 : i64, sc.parallel_access}
      %mul3A_46 = arith.constant 2 : i32
      %mul3A_47 = arith.muli %mul3A_46, %scan3A_27 : i32
      %add3A_48 = arith.constant 1 : i32
      %add3A_49 = arith.addi %mul3A_47, %add3A_48 : i32
      %add3A_50 = arith.constant 1 : i32
      %add3A_51 = arith.addi %add3A_49, %add3A_50 : i32
      %lt3A_52 = arith.constant 50 : i32
      %lt3A_53 = arith.cmpi slt, %add3A_51, %lt3A_52 : i32
      %convert_element_type3A_54 = arith.extui %lt3A_53 : i1 to i32
      %cond3A_55 = arith.constant 0 : i32
      %cond3A_56 = arith.cmpi ne, %convert_element_type3A_54, %cond3A_55 : i32
      scf.if %cond3A_56 {
        %add3A_69 = arith.constant 1 : i32
        %add3A_70 = arith.addi %add3A_49, %add3A_69 : i32
        %mul3A_71 = arith.constant 2000 : i32
        %mul3A_72 = arith.muli %add3A_70, %mul3A_71 : i32
        %add3A_73 = arith.addi %mul3A_2, %mul3A_72 : i32
        %dma_start3A_74 = tpu.memref_slice %arg3[%add3A_73] : memref<3200000xf32, #tpu.memory_space<hbm>> -> memref<2000xf32, #tpu.memory_space<hbm>>
        %dma_start3A_75 = tpu.memref_slice %arg3[%add3A_73] : memref<3200000xf32, #tpu.memory_space<hbm>> -> memref<2000xf32, #tpu.memory_space<hbm>>
        tpu.enqueue_dma source(%dma_start3A_75 : memref<2000xf32, #tpu.memory_space<hbm>>) target(%arg9 : memref<2000xf32, #tpu.memory_space<vmem>>) target_semaphore(%arg15 : memref<!tpu.dma_semaphore, #tpu.memory_space<semaphore_mem>>)
        %dma_start3A_76 = tpu.memref_slice %arg4[%add3A_73] : memref<3200000xi32, #tpu.memory_space<hbm>> -> memref<2000xi32, #tpu.memory_space<hbm>>
        %dma_start3A_77 = tpu.memref_slice %arg4[%add3A_73] : memref<3200000xi32, #tpu.memory_space<hbm>> -> memref<2000xi32, #tpu.memory_space<hbm>>
        tpu.enqueue_dma source(%dma_start3A_77 : memref<2000xi32, #tpu.memory_space<hbm>>) target(%arg10 : memref<2000xi32, #tpu.memory_space<vmem>>) target_semaphore(%arg15 : memref<!tpu.dma_semaphore, #tpu.memory_space<semaphore_mem>>)
        %dma_start3A_78 = tpu.memref_slice %arg5[%add3A_73] : memref<3200000xi32, #tpu.memory_space<hbm>> -> memref<2000xi32, #tpu.memory_space<hbm>>
        %dma_start3A_79 = tpu.memref_slice %arg5[%add3A_73] : memref<3200000xi32, #tpu.memory_space<hbm>> -> memref<2000xi32, #tpu.memory_space<hbm>>
        tpu.enqueue_dma source(%dma_start3A_79 : memref<2000xi32, #tpu.memory_space<hbm>>) target(%arg11 : memref<2000xi32, #tpu.memory_space<vmem>>) target_semaphore(%arg15 : memref<!tpu.dma_semaphore, #tpu.memory_space<semaphore_mem>>)
      } else {
      }
      %mul3A_57 = arith.constant 2000 : i32
      %mul3A_58 = arith.muli %add3A_49, %mul3A_57 : i32
      %add3A_59 = arith.addi %mul3A_2, %mul3A_58 : i32
      %dma_wait3A_60 = tpu.memref_slice %arg3[%add3A_59] : memref<3200000xf32, #tpu.memory_space<hbm>> -> memref<2000xf32, #tpu.memory_space<hbm>>
      %dma_wait3A_61 = tpu.memref_slice %arg3[%add3A_59] : memref<3200000xf32, #tpu.memory_space<hbm>> -> memref<2000xf32, #tpu.memory_space<hbm>>
      tpu.wait_dma2 semaphore(%arg16 : memref<!tpu.dma_semaphore, #tpu.memory_space<semaphore_mem>>) src(%dma_wait3A_61 : memref<2000xf32, #tpu.memory_space<hbm>>) dst(%arg12 : memref<2000xf32, #tpu.memory_space<vmem>>)
      %dma_wait3A_62 = tpu.memref_slice %arg4[%add3A_59] : memref<3200000xi32, #tpu.memory_space<hbm>> -> memref<2000xi32, #tpu.memory_space<hbm>>
      %dma_wait3A_63 = tpu.memref_slice %arg4[%add3A_59] : memref<3200000xi32, #tpu.memory_space<hbm>> -> memref<2000xi32, #tpu.memory_space<hbm>>
      tpu.wait_dma2 semaphore(%arg16 : memref<!tpu.dma_semaphore, #tpu.memory_space<semaphore_mem>>) src(%dma_wait3A_63 : memref<2000xi32, #tpu.memory_space<hbm>>) dst(%arg13 : memref<2000xi32, #tpu.memory_space<vmem>>)
      %dma_wait3A_64 = tpu.memref_slice %arg5[%add3A_59] : memref<3200000xi32, #tpu.memory_space<hbm>> -> memref<2000xi32, #tpu.memory_space<hbm>>
      %dma_wait3A_65 = tpu.memref_slice %arg5[%add3A_59] : memref<3200000xi32, #tpu.memory_space<hbm>> -> memref<2000xi32, #tpu.memory_space<hbm>>
      tpu.wait_dma2 semaphore(%arg16 : memref<!tpu.dma_semaphore, #tpu.memory_space<semaphore_mem>>) src(%dma_wait3A_65 : memref<2000xi32, #tpu.memory_space<hbm>>) dst(%arg14 : memref<2000xi32, #tpu.memory_space<vmem>>)
      %parallel_loop3A_66 = arith.constant 0 : i32
      %parallel_loop3A_67 = arith.constant 125 : i32
      %parallel_loop3A_68 = arith.constant 1 : i32
      scf.for %parallel_loop3A_69 = %parallel_loop3A_66 to %parallel_loop3A_67 step %parallel_loop3A_68  : i32 {
        %parallel_loop3A_70 = vector.broadcast %parallel_loop3A_69 : i32 to vector<16xi32>
        %parallel_loop3A_71 = arith.addi %mul3A_18, %parallel_loop3A_70 : vector<16xi32>
        %parallel_loop3A_72 = tpu.vector_load_idx %arg13[%parallel_loop3A_71] : memref<2000xi32, #tpu.memory_space<vmem>>[vector<16xi32>], vector<16xi32>,
        %parallel_loop3A_73 = tpu.vector_load_idx %arg14[%parallel_loop3A_71] : memref<2000xi32, #tpu.memory_space<vmem>>[vector<16xi32>], vector<16xi32>,
        %parallel_loop3A_74 = tpu.vector_load_idx %arg12[%parallel_loop3A_71] : memref<2000xf32, #tpu.memory_space<vmem>>[vector<16xi32>], vector<16xf32>,
        %parallel_loop3A_75 = tpu.vector_load_idx %arg7[%parallel_loop3A_72] : memref<50000xf32, #tpu.memory_space<vmem>>[vector<16xi32>], vector<16xf32>,
        %parallel_loop3A_76 = tpu.vector_load_idx %arg7[%parallel_loop3A_73] : memref<50000xf32, #tpu.memory_space<vmem>>[vector<16xi32>], vector<16xf32>,
        %parallel_loop3A_77 = arith.mulf %parallel_loop3A_74, %parallel_loop3A_74 : vector<16xf32>
        %parallel_loop3A_78 = arith.constant 1.000000e+00 : f32
        %parallel_loop3A_79 = vector.broadcast %parallel_loop3A_78 : f32 to vector<16xf32>
        %parallel_loop3A_80 = arith.addf %parallel_loop3A_77, %parallel_loop3A_79 : vector<16xf32>
        %parallel_loop3A_81 = arith.mulf %parallel_loop3A_77, %parallel_loop3A_80 : vector<16xf32>
        %parallel_loop3A_82 = vector.bitcast %parallel_loop3A_81 : vector<16xf32> to vector<16xi32>
        %parallel_loop3A_83 = arith.constant 1 : i32
        %parallel_loop3A_84 = vector.broadcast %parallel_loop3A_83 : i32 to vector<16xi32>
        %parallel_loop3A_85 = arith.shrui %parallel_loop3A_82, %parallel_loop3A_84 : vector<16xi32>
        %parallel_loop3A_86 = arith.constant 1597463007 : i32
        %parallel_loop3A_87 = vector.broadcast %parallel_loop3A_86 : i32 to vector<16xi32>
        %parallel_loop3A_88 = arith.subi %parallel_loop3A_87, %parallel_loop3A_85 : vector<16xi32>
        %parallel_loop3A_89 = vector.bitcast %parallel_loop3A_88 : vector<16xi32> to vector<16xf32>
        %parallel_loop3A_90 = arith.constant 5.000000e-01 : f32
        %parallel_loop3A_91 = vector.broadcast %parallel_loop3A_90 : f32 to vector<16xf32>
        %parallel_loop3A_92 = arith.mulf %parallel_loop3A_91, %parallel_loop3A_81 : vector<16xf32>
        %parallel_loop3A_93 = arith.mulf %parallel_loop3A_92, %parallel_loop3A_89 : vector<16xf32>
        %parallel_loop3A_94 = arith.mulf %parallel_loop3A_93, %parallel_loop3A_89 : vector<16xf32>
        %parallel_loop3A_95 = arith.constant 1.500000e+00 : f32
        %parallel_loop3A_96 = vector.broadcast %parallel_loop3A_95 : f32 to vector<16xf32>
        %parallel_loop3A_97 = arith.subf %parallel_loop3A_96, %parallel_loop3A_94 : vector<16xf32>
        %parallel_loop3A_98 = arith.mulf %parallel_loop3A_89, %parallel_loop3A_97 : vector<16xf32>
        %parallel_loop3A_99 = arith.mulf %parallel_loop3A_92, %parallel_loop3A_98 : vector<16xf32>
        %parallel_loop3A_100 = arith.mulf %parallel_loop3A_99, %parallel_loop3A_98 : vector<16xf32>
        %parallel_loop3A_101 = arith.constant 1.500000e+00 : f32
        %parallel_loop3A_102 = vector.broadcast %parallel_loop3A_101 : f32 to vector<16xf32>
        %parallel_loop3A_103 = arith.subf %parallel_loop3A_102, %parallel_loop3A_100 : vector<16xf32>
        %parallel_loop3A_104 = arith.mulf %parallel_loop3A_98, %parallel_loop3A_103 : vector<16xf32>
        %parallel_loop3A_105 = arith.mulf %parallel_loop3A_74, %parallel_loop3A_104 : vector<16xf32>
        %parallel_loop3A_106 = arith.mulf %parallel_loop3A_80, %parallel_loop3A_105 : vector<16xf32>
        %parallel_loop3A_107 = arith.mulf %parallel_loop3A_106, %parallel_loop3A_104 : vector<16xf32>
        %parallel_loop3A_108 = arith.mulf %parallel_loop3A_77, %parallel_loop3A_74 : vector<16xf32>
        %parallel_loop3A_109 = arith.constant -1.920000e-03 : f32
        %parallel_loop3A_110 = vector.broadcast %parallel_loop3A_109 : f32 to vector<16xf32>
        %parallel_loop3A_111 = arith.mulf %parallel_loop3A_110, %parallel_loop3A_74 : vector<16xf32>
        %parallel_loop3A_112 = arith.constant 2.400000e-02 : f32
        %parallel_loop3A_113 = vector.broadcast %parallel_loop3A_112 : f32 to vector<16xf32>
        %parallel_loop3A_114 = arith.addf %parallel_loop3A_113, %parallel_loop3A_111 : vector<16xf32>
        %parallel_loop3A_115 = arith.mulf %parallel_loop3A_74, %parallel_loop3A_114 : vector<16xf32>
        %parallel_loop3A_116 = arith.constant -8.000000e-02 : f32
        %parallel_loop3A_117 = vector.broadcast %parallel_loop3A_116 : f32 to vector<16xf32>
        %parallel_loop3A_118 = arith.addf %parallel_loop3A_117, %parallel_loop3A_115 : vector<16xf32>
        %parallel_loop3A_119 = arith.mulf %parallel_loop3A_108, %parallel_loop3A_118 : vector<16xf32>
        %parallel_loop3A_120 = arith.constant 1.000000e+00 : f32
        %parallel_loop3A_121 = vector.broadcast %parallel_loop3A_120 : f32 to vector<16xf32>
        %parallel_loop3A_122 = arith.addf %parallel_loop3A_121, %parallel_loop3A_119 : vector<16xf32>
        %parallel_loop3A_123 = arith.constant 5.000000e+00 : f32
        %parallel_loop3A_124 = vector.broadcast %parallel_loop3A_123 : f32 to vector<16xf32>
        %parallel_loop3A_125 = arith.cmpf olt, %parallel_loop3A_74, %parallel_loop3A_124 : vector<16xf32>
        %parallel_loop3A_126 = arith.constant 0.000000e+00 : f32
        %parallel_loop3A_127 = vector.broadcast %parallel_loop3A_126 : f32 to vector<16xf32>
        %parallel_loop3A_128 = arith.select %parallel_loop3A_125, %parallel_loop3A_122, %parallel_loop3A_127 : vector<16xi1>, vector<16xf32>
        %parallel_loop3A_129 = arith.constant 0.00999999977 : f32
        %parallel_loop3A_130 = vector.broadcast %parallel_loop3A_129 : f32 to vector<16xf32>
        %parallel_loop3A_131 = arith.mulf %parallel_loop3A_74, %parallel_loop3A_130 : vector<16xf32>
        %parallel_loop3A_132 = arith.addf %parallel_loop3A_107, %parallel_loop3A_131 : vector<16xf32>
        %parallel_loop3A_133 = arith.constant 2.000000e-01 : f32
        %parallel_loop3A_134 = vector.broadcast %parallel_loop3A_133 : f32 to vector<16xf32>
        %parallel_loop3A_135 = arith.subf %parallel_loop3A_132, %parallel_loop3A_134 : vector<16xf32>
        %parallel_loop3A_136 = arith.subf %parallel_loop3A_105, %parallel_loop3A_107 : vector<16xf32>
        %parallel_loop3A_137 = arith.subf %parallel_loop3A_106, %parallel_loop3A_74 : vector<16xf32>
        %parallel_loop3A_138 = arith.constant 0.00999999977 : f32
        %parallel_loop3A_139 = vector.broadcast %parallel_loop3A_138 : f32 to vector<16xf32>
        %parallel_loop3A_140 = arith.mulf %parallel_loop3A_137, %parallel_loop3A_139 : vector<16xf32>
        %parallel_loop3A_141 = arith.addf %parallel_loop3A_136, %parallel_loop3A_140 : vector<16xf32>
        %parallel_loop3A_142 = arith.constant 7.1998229 : f32
        %parallel_loop3A_143 = vector.broadcast %parallel_loop3A_142 : f32 to vector<16xf32>
        %parallel_loop3A_144 = arith.mulf %parallel_loop3A_143, %parallel_loop3A_75 : vector<16xf32>
        %parallel_loop3A_145 = arith.mulf %parallel_loop3A_144, %parallel_loop3A_76 : vector<16xf32>
        %parallel_loop3A_146 = arith.mulf %parallel_loop3A_128, %parallel_loop3A_141 : vector<16xf32>
        %parallel_loop3A_147 = arith.addf %parallel_loop3A_135, %parallel_loop3A_146 : vector<16xf32>
        %parallel_loop3A_148 = arith.mulf %parallel_loop3A_145, %parallel_loop3A_147 : vector<16xf32>
        %parallel_loop3A_149 = arith.constant 1.000000e+01 : f32
        %parallel_loop3A_150 = vector.broadcast %parallel_loop3A_149 : f32 to vector<16xf32>
        %parallel_loop3A_151 = arith.cmpf ole, %parallel_loop3A_74, %parallel_loop3A_150 : vector<16xf32>
        %parallel_loop3A_152 = arith.constant 0.000000e+00 : f32
        %parallel_loop3A_153 = vector.broadcast %parallel_loop3A_152 : f32 to vector<16xf32>
        %parallel_loop3A_154 = arith.select %parallel_loop3A_151, %parallel_loop3A_148, %parallel_loop3A_153 : vector<16xi1>, vector<16xf32>
        tpu.vector_store_idx %arg8[%parallel_loop3A_72], %parallel_loop3A_154 {add = true} : memref<51200xf32, #tpu.memory_space<vmem>>[vector<16xi32>], vector<16xf32>,
      } {sc.loop_unroll_factor = 25 : i64, sc.parallel_access}
    }
    %scan3A_24 = arith.constant 25 : i32
    "tpu.trace_stop"() : () -> ()
    "tpu.trace_start"() <{level = 10 : i32, message = "wout"}> : () -> ()
    %mul3A_25 = arith.constant 51200 : i32
    %mul3A_26 = arith.muli %add3A, %mul3A_25 : i32
    "tpu.region"() ({
      %run_scoped3A = tpu.sem_alloc : memref<!tpu.dma_semaphore, #tpu.memory_space<semaphore_mem>>
      %dma_start3A_27 = tpu.memref_slice %arg6[%mul3A_26] : memref<1638400xf32, #tpu.memory_space<hbm>> -> memref<51200xf32, #tpu.memory_space<hbm>>
      %dma_start3A_28 = tpu.memref_slice %arg6[%mul3A_26] : memref<1638400xf32, #tpu.memory_space<hbm>> -> memref<51200xf32, #tpu.memory_space<hbm>>
      tpu.enqueue_dma source(%arg8 : memref<51200xf32, #tpu.memory_space<vmem>>) target(%dma_start3A_28 : memref<51200xf32, #tpu.memory_space<hbm>>) target_semaphore(%run_scoped3A : memref<!tpu.dma_semaphore, #tpu.memory_space<semaphore_mem>>)
      %dma_wait3A = tpu.memref_slice %arg6[%mul3A_26] : memref<1638400xf32, #tpu.memory_space<hbm>> -> memref<51200xf32, #tpu.memory_space<hbm>>
      %dma_wait3A_29 = tpu.memref_slice %arg6[%mul3A_26] : memref<1638400xf32, #tpu.memory_space<hbm>> -> memref<51200xf32, #tpu.memory_space<hbm>>
      tpu.wait_dma2 semaphore(%run_scoped3A : memref<!tpu.dma_semaphore, #tpu.memory_space<semaphore_mem>>) src(%arg8 : memref<51200xf32, #tpu.memory_space<vmem>>) dst(%dma_wait3A_29 : memref<51200xf32, #tpu.memory_space<hbm>>)
      tpu.yield
    }) : () -> ()
    "tpu.trace_stop"() : () -> ()
    return
  }
}

</mosaic_0001>

<sc_bundles>
// kernel: kernel.3.cloned.1.call-start
scs
__scs_entry_jumppad:
0x0: {  	(pc) =	sbr.rel $0x88, $3  }
0x1: {  	(tag) =	ssettag $0x0;
	lr =	simm.s32 $0x1  }
0x2: {  	[smem:$0x3F9D] =	sst lr;
	_ =	strace $0xD0000000  }
0x3: {  	_ = 	snop  }
0x4: {  	_ = 	snop  }
0x5: {  	_ = 	snop  }
0x6: {  	_ = 	snop  }
0x7: {  	_ = 	snop  }
__scs_overlays_trampoline_lowered:
0x8: {  	[smem:$0x3FAC] =	sst s0  }
0x9: {  	[smem:$0x3FAD] =	sst s1  }
0xa: {  	[smem:$0x3FAE] =	sst s2  }
0xb: {  	[smem:$0x3FAF] =	sst s3  }
0xc: {  	[smem:$0x3FB0] =	sst s4  }
0xd: {  	[smem:$0x3FB1] =	sst s5  }
0xe: {  	[smem:$0x3FB2] =	sst s6  }
0xf: {  	[smem:$0x3FB3] =	sst s7  }
0x10: {  	[smem:$0x3FB4] =	sst s8  }
0x11: {  	[smem:$0x3FB5] =	sst s9;
	s0 =	simm.s32 @!p0 $0x0  }
0x12: {  	s1 =	sld [smem:$0x3F9B];
	s0 =	simm.s32 @p0 $0x1  }
0x13: {  	[smem:$0x3FB6] =	sst s0;
	s0 =	simm.s32 @!p1 $0x0  }
0x14: {  	s2 =	sld [smem:$0x3F9A];
	s0 =	simm.s32 @p1 $0x1  }
0x15: {  	[smem:$0x3FB7] =	sst s0;
	s0 =	simm.s32 @!p2 $0x0  }
0x16: {  	s3 =	sld [smem:$0x3FDB];
	s0 =	simm.s32 @p2 $0x1  }
0x17: {  	s4 =	simm.s32 $0x1BF5;
	[smem:$0x3FB9] =	sst s0  }
0x18: {  	s0 =	sld [smem:$0x3F9C];
	_ =	swait.ge [sflag:s4], $0x0  }
0x19: {  	s7 =	sld [smem:$0x3F9D]  }
0x1a: {  	s8 =	sadd.s32 $0xFFFFE003, lr  }
0x1b: {  	s9 =	sadd.s32 $0xFFFFFEF7, lr;
	s5 =	simm.s32 $0xFFFFFFFF;
	p2 =	slt.u32 s8, $0xFFFFF086  }
0x1c: {  	p1 =	slt.u32 s9, $0xF7A;
	s5 =	simm.s32 @!p2 $0x0  }
0x1d: {  	s5 =	simm.s32 @p1 $0x1;
	p0 =	seq.s32 s7, s2  }
0x1e: {  	s7 =	smul.u32 @!p0 $0xF7A, s2;
	p2 =	seq.s32 @!p0 s5, $0x0  }
0x1f: {  	s9 =	smul.u32 $0xF7A, s1;
	s8 =	simm.s32 @!p0 $0x1BF5;
	p2 =	por !p2, p0  }
0x20: {  	[sflag:s8] =	ssyncset.s32 @!p0 $0xFFFFF086;
	s6 =	sadd.s32 @!p0 s3, s7;
	s7 =	simm.s32 @!p0 $0x108  }
0x21: {  	s3 =	sadd.s32 s3, s9;
	s6 =	sadd.s32 @!p0 $0x88, s6;
	s7 =	simm.s32 @p2 $0x1082  }
0x22: {  	[simem:s7], [sflag:s8] =	dma.local @!p0 [hbm:s6], $0xF7A  }
0x23: {  	s9 =	sor.u32 $0xD0000000, s2;
	s6 =	simm.s32 $0x108;
	_ =	swait.ge @!p0 [sflag:s8], $0x0  }
0x24: {  	s3 =	sadd.s32 $0x88, s3;
	s6 =	simm.s32 @!p1 $0x1082;
	[sflag:s4] =	ssyncset.s32 $0xFFFFF086  }
0x25: {  	[simem:s6], [sflag:s4] =	dma.local [hbm:s3], $0xF7A  }
0x26: {  	[smem:$0x3F9D] =	sst s1;
	(tag) =	ssettag s2;
	_ =	strace s9  }
0x27: {  	s1 =	sld [smem:$0x3FAD]  }
0x28: {  	s2 =	sld [smem:$0x3FAE]  }
0x29: {  	s4 =	sld [smem:$0x3FB0]  }
0x2a: {  	p0 =	seq.s32 s5, $0x0;
	s5 =	sld [smem:$0x3FB1]  }
0x2b: {  	s6 =	sld [smem:$0x3FB2]  }
0x2c: {  	s7 =	sld [smem:$0x3FB3]  }
0x2d: {  	s3 =	simm.s32 $0x108;
	s8 =	sld [smem:$0x3FB4]  }
0x2e: {  	s3 =	simm.s32 @!p0 $0x1082;
	s9 =	sld [smem:$0x3FB5]  }
0x2f: {  	lr =	sadd.s32 s0, s3;
	s0 =	sld [smem:$0x3FAC]  }
0x30: {  	s3 =	sld [smem:$0x3FAF]  }
0x31: {  	[smem:$0x3FB8] =	sst s10  }
0x32: {  	s10 =	sld [smem:$0x3FB6];
	_ =	sdelay $0x3  }
0x33: {  	p0 =	seq.s32 s10, $0x1;
	s10 =	sld [smem:$0x3FB8];
	_ =	sdelay $0x3  }
0x34: {  	[smem:$0x3FB8] =	sst s10  }
0x35: {  	s10 =	sld [smem:$0x3FB7];
	_ =	sdelay $0x3  }
0x36: {  	p1 =	seq.s32 s10, $0x1;
	s10 =	sld [smem:$0x3FB8];
	_ =	sdelay $0x3  }
0x37: {  	[smem:$0x3FB8] =	sst s10  }
0x38: {  	s10 =	sld [smem:$0x3FB9]  }
0x39: {  	_ = 	snop;
	(pc) =	sbr.ind lr, $3  }
0x3a: {  	_ = 	snop  }
0x3b: {  	_ = 	snop  }
0x3c: {  	p2 =	seq.s32 s10, $0x1;
	s10 =	sld [smem:$0x3FB8]  }
0x3d: {  	_ =	shalt  }
0x3e: {  	_ =	shalt  }
0x3f: {  	_ =	shalt  }
0x40: {  	_ =	shalt  }
0x41: {  	_ =	shalt  }
0x42: {  	_ =	shalt  }
0x43: {  	_ =	shalt  }
0x44: {  	_ =	shalt  }
0x45: {  	_ =	shalt  }
0x46: {  	_ =	shalt  }
0x47: {  	_ =	shalt  }
0x48: {  	_ =	shalt  }
0x49: {  	_ =	shalt  }
0x4a: {  	_ =	shalt  }
0x4b: {  	_ =	shalt  }
0x4c: {  	_ =	shalt  }
0x4d: {  	_ =	shalt  }
0x4e: {  	_ =	shalt  }
0x4f: {  	_ =	shalt  }
0x50: {  	_ =	shalt  }
0x51: {  	_ =	shalt  }
0x52: {  	_ =	shalt  }
0x53: {  	_ =	shalt  }
0x54: {  	_ =	shalt  }
0x55: {  	_ =	shalt  }
0x56: {  	_ =	shalt  }
0x57: {  	_ =	shalt  }
0x58: {  	_ =	shalt  }
0x59: {  	_ =	shalt  }
0x5a: {  	_ =	shalt  }
0x5b: {  	_ =	shalt  }
0x5c: {  	_ =	shalt  }
0x5d: {  	_ =	shalt  }
0x5e: {  	_ =	shalt  }
0x5f: {  	_ =	shalt  }
0x60: {  	_ =	shalt  }
0x61: {  	_ =	shalt  }
0x62: {  	_ =	shalt  }
0x63: {  	_ =	shalt  }
0x64: {  	_ =	shalt  }
0x65: {  	_ =	shalt  }
0x66: {  	_ =	shalt  }
0x67: {  	_ =	shalt  }
0x68: {  	_ =	shalt  }
0x69: {  	_ =	shalt  }
0x6a: {  	_ =	shalt  }
0x6b: {  	_ =	shalt  }
0x6c: {  	_ =	shalt  }
0x6d: {  	_ =	shalt  }
0x6e: {  	_ =	shalt  }
0x6f: {  	_ =	shalt  }
0x70: {  	_ =	shalt  }
0x71: {  	_ =	shalt  }
0x72: {  	_ =	shalt  }
0x73: {  	_ =	shalt  }
0x74: {  	_ =	shalt  }
0x75: {  	_ =	shalt  }
0x76: {  	_ =	shalt  }
0x77: {  	_ =	shalt  }
0x78: {  	_ =	shalt  }
0x79: {  	_ =	shalt  }
0x7a: {  	_ =	shalt  }
0x7b: {  	_ =	shalt  }
0x7c: {  	_ =	shalt  }
0x7d: {  	_ =	shalt  }
0x7e: {  	_ =	shalt  }
0x7f: {  	_ =	shalt  }
0x80: {  	_ =	shalt  }
0x81: {  	_ =	shalt  }
0x82: {  	_ =	shalt  }
0x83: {  	_ =	shalt  }
0x84: {  	_ =	shalt  }
0x85: {  	_ =	shalt  }
0x86: {  	_ =	shalt  }
0x87: {  	_ =	shalt  }
.Lfunc_end0:
.L_simem_size_0:
called_computation_lowered:
.L_overlay_start_0:
0x88: {  	s2 =	sld [smem:$0x3FD9]  }
0x89: {  	s3 =	sld [smem:$0x3FFE];
	_ =	sdelay $0x1  }
0x8a: {  	s1 =	srdreg.scid  }
0x8b: {  	s0 =	sand.u32 $0x1, s1  }
0x8c: {  	s17 =	sshll.u32 s0, $0xA;
	s2 =	sadd.s32 s3, s2  }
0x8d: {  	s2 =	sadd.s32 s2, s17  }
0x8e: {  	[smem:$0x3FC4] =	sst s2  }
0x8f: {  	_ = 	snop  }
0x90: {  	s2 =	sld [smem:$0x3FC9]  }
0x91: {  	s18 =	sld [smem:$0x3FC8]  }
0x92: {  	s4 =	sld [smem:$0x3FC7]  }
0x93: {  	s5 =	sld [smem:$0x3FC6];
	(tm) =	ssettm $0x1  }
0x94: {  	s6 =	sld [smem:$0x3FFB];
	_ =	sdelay $0x3  }
0x95: {  	_ =	strace s6  }
0x96: {  	s6 =	sld [smem:$0x3FFC];
	_ =	sdelay $0x3  }
0x97: {  	_ =	strace s6  }
0x98: {  	s6 =	sld [smem:$0x3FFD];
	_ =	sdelay $0x3  }
0x99: {  	_ =	strace s6  }
0x9a: {  	_ =	strace $0x8FFFFFFF  }
0x9b: {  	s19 =	sld [smem:$0x3FDB];
	_ =	sdelay $0x1  }
0x9c: {  	s7 =	simm.s32 $_scs_section_size  }
0x9d: {  	s8 =	simm.s32 $_size__tile_overlayer_lowered;
	s9 =	simm.s32 $_tile_overlayer_lowered  }
0x9e: {  	s22 =	simm.s32 $0x1BFF;
	s21 =	sshll.u32 s9, $0x1;
	s6 =	sadd.s32 s7, s19  }
0x9f: {  	s10 =	simm.s32 $0x0;
	s20 =	sshll.u32 s8, $0x1;
	s8 =	sadd.s32 s21, s6  }
0xa0: {  	[timem:s10], [sflag:s22] =	dma.local [hbm:s8], s20  }
0xa1: {  	_ =	swait.ge [sflag:s22], s20  }
0xa2: {  	s7 =	ssub.s32 $0x0, s20;
	[sflag:s22] =	ssyncset.done $0x0  }
0xa3: {  	[sflag:s22] =	ssyncadd.s32 s7;
	_ =	sdelay $0x1  }
0xa4: {  	s23 =	simm.s32 $0x1B8B  }
0xa5: {  	_ =	swait.ge [sflag:s23], $0x1  }
0xa6: {  	[sflag:s23] =	ssyncset.done $0x0  }
0xa7: {  	s25 =	simm.s32 $0x1B8E;
	s24 =	sld [smem:$0x3FFE];
	[sflag:s23] =	ssyncadd.s32 $0xFFFFFFFF  }
0xa8: {  	s26 =	simm.s32 $execute0_lowered;
	[smem:$0x3FD2] =	sst s25  }
0xa9: {  	s8 =	sshll.u32 s26, $0x1;
	_ =	strace $0x80000046;
	[dreg:$0x1] =	wrdreg $0xFFFFFFFF  }
0xaa: {  	s28 =	simm.s32 $_size_execute0_lowered;
	s6 =	sadd.s32 s6, s8;
	[dreg:$0x0] =	wrdreg $0x0  }
0xab: {  	s8 =	sshll.u32 s28, $0x1;
	[dreg:$0x2] =	wrdreg s6  }
0xac: {  	[dreg:$0x3] =	wrdreg s8  }
0xad: {  	[dreg:$0x4] =	wrdreg $0xC0  }
0xae: {  	_ =	task [dreg:s10], $0x5FFFF  }
0xaf: {  	[dreg:$0x1] =	wrdreg $0xFFFFFFFF  }
0xb0: {  	[dreg:$0x0] =	wrdreg $0x60  }
0xb1: {  	[dreg:$0x2] =	wrdreg s2  }
0xb2: {  	[dreg:$0x3] =	wrdreg s18  }
0xb3: {  	[dreg:$0x4] =	wrdreg s4  }
0xb4: {  	[dreg:$0x5] =	wrdreg s5  }
0xb5: {  	[dreg:$0x6] =	wrdreg s24  }
0xb6: {  	[dreg:$0x7] =	wrdreg $0x9  }
0xb7: {  	_ =	task.clear_ibuf [dreg:s10], $0x8FFFF;
	_ =	strace $0x90000046  }
0xb8: {  	s29 =	simm.s32 $0x9;
	_ =	strace $0x8000004C  }
0xb9: {  	_ =	swait.ge [sflag:s29], $0x1  }
0xba: {  	[sflag:s29] =	ssyncadd.s32 $0xFFFFFFFF  }
0xbb: {  	_ =	strace $0x9000004C  }
0xbc: {  	_ =	sfence  }
0xbd: {  	s30 =	sld [smem:$0x0];
	_ =	sdelay $0x2  }
0xbe: {  	s31 =	sshll.u32 s1, $0xD;
	s1 =	sshrl.u32 s1, $0x2  }
0xbf: {  	s3 =	sand.u32 $0x4000, s31;
	s1 =	sadd.s32 s1, s30  }
0xc0: {  	s0 =	sor.u32 s3, s0;
	s1 =	sshll.u32 s1, $0x11  }
0xc1: {  	s0 =	sor.u32 s1, s0  }
0xc2: {  	s0 =	sadd.s32 $0x8F2B, s0  }
0xc3: {  	[sflag:s0] =	ssyncadd.remote.s32 $0x1  }
0xc4: {  	_ =	sfence.sel $0xFFFF  }
0xc5: {  	[dreg:$0x0] =	wrdreg $0xFFFFFFFF;
	(pc) =	sbr.abs _section_cstart, $3  }
0xc6: {  	[dreg:$0x1] =	wrdreg $0xFFFFFFFF  }
0xc7: {  	_ =	task.clear_ibuf [dreg:s10], $0x2FFFF;
	_ =	strace $0x9FFFFFFF  }
0xc8: {  	(tm) =	ssettm $0x7FFFFFFF  }
0xc9: {  	_ =	shalt  }
tec
execute0_lowered:
.L_overlay_start_1:
0x0: {  	(tag) =	ssettag $0x1  }
0x1: {  	s1 =	rddreg [dreg:$0x0]  }
0x2: {  	s2 =	rddreg [dreg:$0x1]  }
0x3: {  	s3 =	rddreg [dreg:$0x2];
	s4 =	srdreg.scid  }
0x4: {  	s0 =	stileid.u32;
	s5 =	rddreg [dreg:$0x3]  }
0x5: {  	s8 =	rddreg [dreg:$0x4];
	s6 =	simm.s32 $0x0;
	s14 =	simm.s32 $0x3  }
0x6: {  	s15 =	simm.s32 $0x18B80;
	s16 =	simm.s32 $0x19380;
	s17 =	simm.s32 $0x19B80  }
0x7: {  	s18 =	simm.s32 $0x1A380;
	s19 =	simm.s32 $0x1AB80;
	s20 =	simm.s32 $0x1B380  }
0x8: {  	s21 =	simm.s32 $0x1;
	s7 =	sand.u32 $0x1, s4;
	s29 =	sshll.u32 s0, $0x1  }
0x9: {  	s22 =	simm.s32 $0xC380;
	s23 =	simm.s32 $0x2;
	s9 =	sor.u32 s7, s29  }
0xa: {  	s24 =	simm.s32 $0x0;
	s7 =	ssub.s32 $0x2, s7;
	s10 =	smul.u32 $0x1900, s9  }
0xb: {  	[smem:$0x7FF] =	sst s6;
	s11 =	smul.u32 $0x186A0, s9;
	s30 =	sshrl.u32 s7, $0x1  }
0xc: {  	v1 =	vlaneseq.u32;
	s4 =	rddreg [dreg:$0x5];
	_ =	strace $0x80000047;
	s13 =	ssub.s32 s7, s30  }
0xd: {  	v1 =	vmul.u32 $0x7D, v1;
	s12 =	sadd.s32 s10, s8;
	s31 =	sshrl.u32 s11, $0x3;
	s10 =	sadd.s32 $0x7D0, s11  }
0xe: {  	s11 =	sadd.s32 $0xFA0, s11;
	s13 =	smax.u32 s13, $0x1;
	s7 =	sadd.s32 s2, s31  }
0xf: {  	v0 =	vimm.f32 $0.0e+00;
	[tilespmem:$0x1FFF0] =	vst v1;
	s8 =	sadd.s32 s3, s31;
	s9 =	sadd.s32 s5, s31;
	s12 =	sadd.s32 $0x400, s12  }
.LBB2_1:
0x10: {  	_ =	strace $0x80000048  }
0x11: {  	[tilespmem:s6], [sflag:$0x3] =	stream.linear.gather [hbm4b:s1+s6], $0xC380, $0x200038;
	[tilespmem:$0x1BB80] =	vst v63  }
0x12: {  	_ =	swait.ge [sflag:s14], $0xC380  }
0x13: {  	[sflag:s14] =	ssyncset.done $0x0  }
0x14: {  	[sflag:s14] =	ssyncadd.s32 $0xFFFF3C80  }
0x15: {  	s25 =	simm.s32 $0xC3A0;
	_ =	strace $0x90000048  }
0x16: {  	_ =	strace $0x80000049;
	[tilespmem:s25+$0xFFFFFFE0] =	vst v0  }
0x17: {  	[tilespmem:s25+$0x10] =	vst v0  }
0x18: {  	s26 =	simm.s32 $0x0;
	[tilespmem:s25+$0x0] =	vst v0  }
.LBB2_2:
0x19: {  	s26 =	sadd.s32 $0x4, s26  }
0x1a: {  	[tilespmem:s25+$0xFFFFFFF0] =	vst v0;
	s25 =	sadd.s32 $0x40, s25;
	p0 =	slt.u32 s26, $0xC7C  }
.Ltmp0:
0x1b: {  	[tilespmem:s25+$0xFFFFFFE0] =	vst v0;
	(pc) =	sbr.rel @p0 .LBB2_2-.Ltmp0, $3  }
0x1c: {  	_ =	sdelay $0x1  }
0x1d: {  	[tilespmem:s25+$0x10] =	vst v0  }
0x1e: {  	[tilespmem:s25+$0x0] =	vst v0  }
0x1f: {  	[tilespmem:s25+$0xFFFFFFF0] =	vst v0  }
0x20: {  	s25 =	simm.s32 $0x0;
	_ =	strace $0x90000049  }
0x21: {  	[tilespmem:s15], [sflag:$0x1] =	stream.linear.gather [hbm4b:s7+s25], $0x7D0, $0x38;
	[tilespmem:$0x1BB80] =	vst v63  }
0x22: {  	_ = 	snop  }
0x23: {  	[tilespmem:s16], [sflag:$0x1] =	stream.linear.gather [hbm4b:s8+s25], $0x7D0, $0x38;
	[tilespmem:$0x1BB80] =	vst v63  }
0x24: {  	_ = 	snop  }
0x25: {  	[tilespmem:s17], [sflag:$0x1] =	stream.linear.gather [hbm4b:s9+s25], $0x7D0, $0x38;
	[tilespmem:$0x1BB80] =	vst v63  }
0x26: {  	s26 =	simm.s32 $0x0;
	_ =	strace $0x8000004A  }
.LBB2_4:
0x27: {  	s28 =	smul.u32 $0xFA0, s26;
	_ =	sdelay $0x1  }
0x28: {  	s29 =	sadd.s32 s28, s10  }
0x29: {  	s29 =	sshrl.u32 s29, $0x3  }
0x2a: {  	s30 =	sadd.s32 s2, s29  }
0x2b: {  	[tilespmem:s18], [sflag:$0x2] =	stream.linear.gather [hbm4b:s30+s25], $0x7D0, $0x200038;
	[tilespmem:$0x1BB80] =	vst v63  }
0x2c: {  	s31 =	sadd.s32 s3, s29  }
0x2d: {  	[tilespmem:s19], [sflag:$0x2] =	stream.linear.gather [hbm4b:s31+s25], $0x7D0, $0x200038;
	[tilespmem:$0x1BB80] =	vst v63  }
0x2e: {  	s29 =	sadd.s32 s5, s29  }
0x2f: {  	[tilespmem:s20], [sflag:$0x2] =	stream.linear.gather [hbm4b:s29+s25], $0x7D0, $0x200038;
	[tilespmem:$0x1BB80] =	vst v63  }
0x30: {  	_ =	swait.ge [sflag:s21], $0x7D0  }
0x31: {  	[sflag:s21] =	ssyncset.done $0x0  }
0x32: {  	[sflag:s21] =	ssyncadd.s32 $0xFFFFF830  }
0x33: {  	_ =	swait.ge [sflag:s21], $0x7D0  }
0x34: {  	[sflag:s21] =	ssyncset.done $0x0  }
0x35: {  	[sflag:s21] =	ssyncadd.s32 $0xFFFFF830  }
0x36: {  	_ =	swait.ge [sflag:s21], $0x7D0  }
0x37: {  	[sflag:s21] =	ssyncset.done $0x0  }
0x38: {  	s29 =	simm.s32 $0x0;
	[sflag:s21] =	ssyncadd.s32 $0xFFFFF830  }
.LBB2_5:
0x39: {  	_ =	sdelay $0x1  }
0x3a: {  	v3 =	vadd.s32 s29, v1;
	_ =	sdelay $0x4  }
0x3b: {  	v6 =	vld.idx.msk [tilespmem:v3+s15+$0x0], $0xffff;
	_ =	sdelay $0x4  }
0x3c: {  	v4 =	vmul.f32 v6, v6  }
0x3d: {  	s30 =	sadd.s32 $0x1, s29  }
0x3e: {  	v7 =	vadd.s32 s30, v1;
	v5 =	vadd.f32 $1.000000000e+00, v4;
	_ =	sdelay $0x1  }
0x3f: {  	v2 =	vmul.f32 v5, v4;
	_ =	sdelay $0x1  }
0x40: {  	v8 =	vshrl.u32 v2, $0x1;
	v2 =	vmul.f32 $5.000000000e-01, v2  }
0x41: {  	v9 =	vsub.s32 $0x5F3759DF, v8;
	v8 =	vld.idx.msk [tilespmem:v7+s15+$0x0], $0xffff  }
0x42: {  	v10 =	vmul.f32 v9, v2  }
0x43: {  	v0 =	vld.idx.msk [tilespmem:v3+s16+$0x0], $0xffff  }
0x44: {  	v10 =	vmul.f32 v9, v10;
	_ =	sdelay $0x1  }
0x45: {  	s31 =	sadd.s32 $0x2, s29;
	v10 =	vsub.f32 $1.500000000e+00, v10;
	v12 =	vmul.f32 v8, v8  }
0x46: {  	v13 =	vadd.s32 s31, v1;
	v35 =	vmul.f32 $1.919999950e-03, v6  }
0x47: {  	v9 =	vmul.f32 v9, v10;
	v34 =	vadd.f32 $1.000000000e+00, v12  }
0x48: {  	v17 =	vsub.f32 $2.400000020e-02, v35  }
0x49: {  	v2 =	vmul.f32 v9, v2;
	v11 =	vmul.f32 v34, v12  }
0x4a: {  	v23 =	vld.idx.msk [tilespmem:v0+s6+$0x0], $0xffff;
	v17 =	vmul.f32 v17, v6  }
0x4b: {  	v2 =	vmul.f32 v2, v9;
	v14 =	vshrl.u32 v11, $0x1;
	v15 =	vmul.f32 $5.000000000e-01, v11;
	v11 =	vld.idx.msk [tilespmem:v13+s15+$0x0], $0xffff  }
0x4c: {  	v4 =	vmul.f32 v4, v6;
	v17 =	vadd.f32 $-7.999999820e-02, v17;
	v14 =	vsub.s32 $0x5F3759DF, v14  }
0x4d: {  	s31 =	sadd.s32 $0x3, s29;
	v2 =	vsub.f32 $1.500000000e+00, v2;
	v16 =	vmul.f32 v14, v15  }
0x4e: {  	v21 =	vadd.s32 s31, v1;
	v38 =	vmul.f32 $9.999999770e-03, v6;
	v4 =	vmul.f32 v17, v4  }
0x4f: {  	vm0 =	vlt.f32 v6, $5.000000000e+00;
	v9 =	vmul.f32 v2, v9;
	v16 =	vmul.f32 v14, v16  }
0x50: {  	v42 =	vmul.f32 $7.199822900e+00, v23;
	v4 =	vadd.f32 $1.000000000e+00, v4;
	v37 =	vmul.f32 v11, v11  }
0x51: {  	v19 =	vld.idx.msk [tilespmem:v3+s17+$0x0], $0xffff;
	v39 =	vmul.f32 $1.919999950e-03, v8;
	v18 =	vmul.f32 v9, v6;
	v16 =	vsub.f32 $1.500000000e+00, v16  }
0x52: {  	v48 =	vmul.f32 $9.999999770e-03, v8;
	v12 =	vmul.f32 v12, v8;
	v20 =	vadd.f32 $1.000000000e+00, v37  }
0x53: {  	vm7 =	vle.f32 v6, $1.000000000e+01;
	v3 =	vmul.f32 v18, v5;
	v36 =	vmul.f32 v14, v16  }
0x54: {  	v4 =	vnsel vm0, $0x0, v4;
	v52 =	vmul.f32 $1.919999950e-03, v11;
	v22 =	vmul.f32 v20, v37  }
0x55: {  	vm5 =	vlt.f32 v8, $5.000000000e+00;
	v9 =	vmul.f32 v3, v9;
	v14 =	vmul.f32 v36, v15  }
0x56: {  	v16 =	vsub.f32 $2.400000020e-02, v39;
	v24 =	vsub.f32 v3, v6;
	v25 =	vshrl.u32 v22, $0x1  }
0x57: {  	v3 =	vld.idx.msk [tilespmem:v7+s16+$0x0], $0xffff;
	v22 =	vmul.f32 $5.000000000e-01, v22;
	v14 =	vmul.f32 v14, v36;
	v15 =	vadd.f32 v9, v38  }
0x58: {  	v25 =	vsub.s32 $0x5F3759DF, v25;
	v9 =	vsub.f32 v18, v9;
	v40 =	vmul.f32 $9.999999770e-03, v24  }
0x59: {  	v19 =	vld.idx.msk [tilespmem:v19+s6+$0x0], $0xffff;
	vm9 =	vle.f32 v8, $1.000000000e+01;
	v16 =	vmul.f32 v16, v8;
	v41 =	vmul.f32 v25, v22  }
0x5a: {  	vm6 =	vlt.f32 v11, $5.000000000e+00;
	v14 =	vsub.f32 $1.500000000e+00, v14;
	v9 =	vadd.f32 v40, v9  }
0x5b: {  	vm11 =	vle.f32 v11, $1.000000000e+01;
	v7 =	vld.idx.msk [tilespmem:v7+s17+$0x0], $0xffff;
	v16 =	vadd.f32 $-7.999999820e-02, v16;
	v43 =	vmul.f32 v25, v41  }
0x5c: {  	v15 =	vadd.f32 $-2.000000030e-01, v15;
	v5 =	vmul.f32 v14, v36;
	v14 =	vld.idx.msk [tilespmem:v21+s15+$0x0], $0xffff;
	v9 =	vmul.f32 v9, v4  }
0x5d: {  	v17 =	vmul.f32 v37, v11;
	v12 =	vmul.f32 v16, v12;
	v44 =	vsub.f32 $1.500000000e+00, v43  }
0x5e: {  	v18 =	vmul.f32 v19, v42;
	v26 =	vmul.f32 v5, v8;
	v9 =	vadd.f32 v9, v15  }
0x5f: {  	v38 =	vmul.f32 $9.999999770e-03, v11;
	v12 =	vadd.f32 $1.000000000e+00, v12;
	v46 =	vld.idx.msk [tilespmem:v3+s6+$0x0], $0xffff;
	v23 =	vmul.f32 v25, v44  }
0x60: {  	v25 =	vsub.f32 $2.400000020e-02, v52;
	v10 =	vmul.f32 v26, v34;
	v9 =	vmul.f32 v9, v18  }
0x61: {  	v4 =	vld.idx.msk [tilespmem:v13+s16+$0x0], $0xffff;
	v47 =	vnsel vm5, $0x0, v12;
	v45 =	vmul.f32 v14, v14;
	v22 =	vmul.f32 v23, v22  }
0x62: {  	v55 =	vmul.f32 v25, v11;
	v39 =	vmul.f32 $1.919999950e-03, v14;
	vm8 =	vlt.f32 v14, $5.000000000e+00  }
0x63: {  	v7 =	vld.idx.msk [tilespmem:v7+s6+$0x0], $0xffff;
	vm14 =	vle.f32 v14, $1.000000000e+01;
	v5 =	vmul.f32 v10, v5;
	v49 =	vadd.f32 $1.000000000e+00, v45  }
0x64: {  	s31 =	sadd.s32 $0x4, s29;
	v58 =	vld.idx.msk [tilespmem:v13+s17+$0x0], $0xffff;
	v10 =	vsub.f32 v10, v8;
	v22 =	vmul.f32 v22, v23;
	v27 =	vmul.f32 $7.199822900e+00, v46  }
0x65: {  	v50 =	vsub.f32 v26, v5;
	v26 =	vadd.s32 s31, v1;
	v51 =	vmul.f32 v49, v45  }
0x66: {  	v19 =	vmul.f32 v45, v14;
	v10 =	vmul.f32 $9.999999770e-03, v10;
	v5 =	vadd.f32 v5, v48  }
0x67: {  	v22 =	vsub.f32 $1.500000000e+00, v22;
	v53 =	vshrl.u32 v51, $0x1;
	v12 =	vmul.f32 $5.000000000e-01, v51  }
0x68: {  	v7 =	vmul.f32 v7, v27;
	v10 =	vadd.f32 v10, v50;
	v28 =	vsub.s32 $0x5F3759DF, v53  }
0x69: {  	v6 =	vnsel vm7, $0x0, v9;
	v62 =	vld.idx.msk [tilespmem:v4+s6+$0x0], $0xffff;
	v54 =	vmul.f32 v22, v23;
	v29 =	vmul.f32 v28, v12  }
0x6a: {  	v5 =	vadd.f32 $-2.000000030e-01, v5;
	v22 =	vadd.f32 $-7.999999820e-02, v55;
	v10 =	vmul.f32 v10, v47;
	v16 =	vld.idx.msk [tilespmem:v26+s15+$0x0], $0xffff  }
0x6b: {  	v23 =	vsub.f32 $2.400000020e-02, v39;
	v57 =	vmul.f32 v54, v11;
	v56 =	vmul.f32 v28, v29  }
0x6c: {  	v40 =	vld.idx.msk [tilespmem:v58+s6+$0x0], $0xffff;
	v51 =	vmul.f32 $9.999999770e-03, v14;
	v17 =	vmul.f32 v22, v17;
	v5 =	vadd.f32 v10, v5  }
0x6d: {  	s31 =	sadd.s32 $0x5, s29;
	v23 =	vmul.f32 v23, v14;
	v60 =	vmul.f32 v57, v20;
	v59 =	vsub.f32 $1.500000000e+00, v56  }
0x6e: {  	v25 =	vadd.s32 s31, v1;
	v20 =	vmul.f32 $7.199822900e+00, v62;
	v10 =	vmul.f32 v5, v7  }
0x6f: {  	v17 =	vadd.f32 $1.000000000e+00, v17;
	v5 =	vld.idx.msk [tilespmem:v21+s16+$0x0], $0xffff;
	v61 =	vmul.f32 v16, v16;
	v7 =	vmul.f32 v28, v59  }
0x70: {  	v23 =	vadd.f32 $-7.999999820e-02, v23;
	v15 =	vmul.f32 v60, v54;
	v13 =	vsub.f32 v60, v11  }
0x71: {  	v21 =	vld.idx.msk [tilespmem:v21+s17+$0x0], $0xffff;
	v20 =	vmul.f32 v40, v20;
	v63 =	vadd.f32 $1.000000000e+00, v61;
	v12 =	vmul.f32 v7, v12  }
0x72: {  	v36 =	vnsel vm6, $0x0, v17;
	v19 =	vmul.f32 v23, v19;
	v53 =	vmul.f32 $1.919999950e-03, v16  }
0x73: {  	v17 =	vld.idx.msk [tilespmem:v25+s15+$0x0], $0xffff;
	vm1 =	vlt.f32 v16, $5.000000000e+00;
	v37 =	vmul.f32 v63, v61;
	v12 =	vmul.f32 v12, v7  }
0x74: {  	v35 =	vsub.f32 v57, v15;
	v13 =	vmul.f32 $9.999999770e-03, v13;
	v15 =	vadd.f32 v15, v38  }
0x75: {  	v30 =	vshrl.u32 v37, $0x1;
	v31 =	vmul.f32 $5.000000000e-01, v37;
	v12 =	vsub.f32 $1.500000000e+00, v12  }
0x76: {  	v18 =	vmul.f32 v61, v16;
	v13 =	vadd.f32 v13, v35;
	v30 =	vsub.s32 $0x5F3759DF, v30  }
0x77: {  	v10 =	vnsel vm9, $0x0, v10;
	v47 =	vld.idx.msk [tilespmem:v5+s6+$0x0], $0xffff;
	v41 =	vmul.f32 v30, v31;
	v7 =	vmul.f32 v12, v7  }
0x78: {  	v15 =	vadd.f32 $-2.000000030e-01, v15;
	v45 =	vmul.f32 v17, v17;
	v13 =	vmul.f32 v13, v36  }
0x79: {  	vm15 =	vle.f32 v16, $1.000000000e+01;
	v21 =	vld.idx.msk [tilespmem:v21+s6+$0x0], $0xffff;
	v12 =	vmul.f32 v30, v41;
	v42 =	vmul.f32 v7, v14  }
0x7a: {  	v40 =	vmul.f32 $1.919999950e-03, v17;
	v23 =	vmul.f32 v45, v17;
	v13 =	vadd.f32 v13, v15  }
0x7b: {  	v44 =	vsub.f32 $1.500000000e+00, v12;
	v43 =	vmul.f32 v42, v49;
	v49 =	vadd.f32 $1.000000000e+00, v45  }
0x7c: {  	s31 =	sadd.s32 $0x6, s29;
	v48 =	vadd.f32 $1.000000000e+00, v19;
	v12 =	vmul.f32 v13, v20;
	v13 =	vmul.f32 $7.199822900e+00, v47  }
0x7d: {  	v28 =	vadd.s32 s31, v1;
	v46 =	vmul.f32 v30, v44;
	v52 =	vmul.f32 v49, v45  }
0x7e: {  	v20 =	vnsel vm8, $0x0, v48;
	v13 =	vmul.f32 v21, v13;
	v7 =	vmul.f32 v43, v7  }
0x7f: {  	v50 =	vmul.f32 v46, v31;
	v32 =	vshrl.u32 v52, $0x1;
	v30 =	vmul.f32 $5.000000000e-01, v52  }
0x80: {  	v15 =	vsub.f32 v43, v14;
	v31 =	vsub.f32 $2.400000020e-02, v53;
	v32 =	vsub.s32 $0x5F3759DF, v32  }
0x81: {  	v27 =	vsub.f32 v42, v7;
	v19 =	vmul.f32 v50, v46;
	v34 =	vmul.f32 v32, v30  }
0x82: {  	v15 =	vmul.f32 $9.999999770e-03, v15;
	v29 =	vadd.f32 v7, v51;
	v54 =	vmul.f32 v31, v16  }
0x83: {  	v31 =	vsub.f32 $2.400000020e-02, v40;
	v33 =	vsub.f32 $1.500000000e+00, v19;
	v19 =	vld.idx.msk [tilespmem:v28+s15+$0x0], $0xffff;
	v55 =	vmul.f32 v32, v34  }
0x84: {  	v7 =	vld.idx.msk [tilespmem:v26+s16+$0x0], $0xffff;
	v42 =	vmul.f32 $9.999999770e-03, v16;
	v15 =	vadd.f32 v15, v27;
	v21 =	vadd.f32 $-7.999999820e-02, v54  }
0x85: {  	v31 =	vmul.f32 v31, v17;
	v9 =	vmul.f32 v33, v46;
	v27 =	vsub.f32 $1.500000000e+00, v55  }
0x86: {  	v56 =	vld.idx.msk [tilespmem:v26+s17+$0x0], $0xffff;
	v29 =	vadd.f32 $-2.000000030e-01, v29;
	v15 =	vmul.f32 v15, v20;
	v59 =	vmul.f32 v21, v18  }
0x87: {  	v8 =	vld.idx.msk [tilespmem:v25+s16+$0x0], $0xffff;
	s31 =	sadd.s32 $0x7, s29;
	v31 =	vadd.f32 $-7.999999820e-02, v31;
	v57 =	vmul.f32 v9, v16;
	v60 =	vmul.f32 v32, v27  }
0x88: {  	v15 =	vadd.f32 v15, v29;
	v58 =	vmul.f32 v19, v19;
	v27 =	vadd.s32 s31, v1  }
0x89: {  	v21 =	vadd.f32 $1.000000000e+00, v59;
	v22 =	vmul.f32 v57, v63;
	v62 =	vmul.f32 v60, v30  }
0x8a: {  	v23 =	vmul.f32 v31, v23;
	v15 =	vmul.f32 v15, v13;
	v61 =	vadd.f32 $1.000000000e+00, v58  }
0x8b: {  	v9 =	vmul.f32 v22, v9;
	v22 =	vsub.f32 v22, v16;
	v43 =	vmul.f32 v62, v60  }
0x8c: {  	vm10 =	vlt.f32 v17, $5.000000000e+00;
	v52 =	vmul.f32 $1.919999950e-03, v19;
	v63 =	vld.idx.msk [tilespmem:v7+s6+$0x0], $0xffff;
	v41 =	vmul.f32 v61, v58  }
0x8d: {  	v21 =	vnsel vm1, $0x0, v21;
	v36 =	vmul.f32 $9.999999770e-03, v22;
	v22 =	vld.idx.msk [tilespmem:v27+s15+$0x0], $0xffff;
	v34 =	vsub.f32 $1.500000000e+00, v43  }
0x8e: {  	v20 =	vld.idx.msk [tilespmem:v56+s6+$0x0], $0xffff;
	v23 =	vadd.f32 $1.000000000e+00, v23;
	v35 =	vshrl.u32 v41, $0x1;
	v32 =	vmul.f32 $5.000000000e-01, v41  }
0x8f: {  	v48 =	vld.idx.msk [tilespmem:v8+s6+$0x0], $0xffff;
	v62 =	vmul.f32 $9.999999770e-03, v19;
	v35 =	vsub.s32 $0x5F3759DF, v35;
	v18 =	vmul.f32 v34, v60  }
0x90: {  	v25 =	vld.idx.msk [tilespmem:v25+s17+$0x0], $0xffff;
	v26 =	vsub.f32 v57, v9;
	v57 =	vmul.f32 v58, v19;
	v37 =	vmul.f32 v35, v32  }
0x91: {  	v53 =	vsub.f32 $2.400000020e-02, v52;
	v30 =	vmul.f32 $7.199822900e+00, v63;
	v45 =	vmul.f32 v18, v17  }
0x92: {  	v9 =	vadd.f32 v9, v42;
	v44 =	vmul.f32 v35, v37;
	v31 =	vmul.f32 v22, v22  }
0x93: {  	v26 =	vadd.f32 v36, v26;
	v20 =	vmul.f32 v20, v30;
	v24 =	vmul.f32 v45, v49  }
0x94: {  	v30 =	vmul.f32 $7.199822900e+00, v48;
	v46 =	vsub.f32 $1.500000000e+00, v44;
	v34 =	vadd.f32 $1.000000000e+00, v31  }
0x95: {  	v21 =	vmul.f32 v26, v21;
	v18 =	vmul.f32 v24, v18;
	v24 =	vsub.f32 v24, v17  }
0x96: {  	s31 =	sadd.s32 $0x8, s29;
	v9 =	vadd.f32 $-2.000000030e-01, v9;
	v47 =	vmul.f32 v35, v46;
	v50 =	vmul.f32 v34, v31  }
0x97: {  	v35 =	vadd.s32 s31, v1;
	v33 =	vsub.f32 v45, v18;
	v24 =	vmul.f32 $9.999999770e-03, v24  }
0x98: {  	v25 =	vld.idx.msk [tilespmem:v25+s6+$0x0], $0xffff;
	v32 =	vmul.f32 v47, v32;
	v51 =	vshrl.u32 v50, $0x1;
	v36 =	vmul.f32 $5.000000000e-01, v50  }
0x99: {  	v49 =	vmul.f32 $9.999999770e-03, v17;
	v24 =	vadd.f32 v24, v33;
	v33 =	vsub.s32 $0x5F3759DF, v51  }
0x9a: {  	v23 =	vnsel vm10, $0x0, v23;
	v32 =	vmul.f32 v32, v47;
	v38 =	vmul.f32 v33, v36  }
0x9b: {  	v9 =	vadd.f32 v21, v9;
	v21 =	vmul.f32 v53, v19;
	v18 =	vadd.f32 v18, v49  }
0x9c: {  	v32 =	vsub.f32 $1.500000000e+00, v32;
	v24 =	vmul.f32 v24, v23;
	v23 =	vld.idx.msk [tilespmem:v35+s15+$0x0], $0xffff;
	v54 =	vmul.f32 v33, v38  }
0x9d: {  	v25 =	vmul.f32 v25, v30;
	v42 =	vmul.f32 $1.919999950e-03, v22;
	v18 =	vadd.f32 $-2.000000030e-01, v18  }
0x9e: {  	v21 =	vadd.f32 $-7.999999820e-02, v21;
	v26 =	vmul.f32 v32, v47;
	v32 =	vsub.f32 $1.500000000e+00, v54  }
0x9f: {  	v31 =	vmul.f32 v31, v22;
	v24 =	vadd.f32 v24, v18;
	v18 =	vmul.f32 v9, v20;
	v9 =	vld.idx.msk [tilespmem:v28+s16+$0x0], $0xffff  }
0xa0: {  	vm6 =	vle.f32 v17, $1.000000000e+01;
	v55 =	vmul.f32 v26, v19;
	v58 =	vmul.f32 v33, v32  }
0xa1: {  	v11 =	vnsel vm11, $0x0, v12;
	v60 =	vmul.f32 v21, v57;
	v59 =	vmul.f32 v23, v23  }
0xa2: {  	v56 =	vld.idx.msk [tilespmem:v28+s17+$0x0], $0xffff;
	vm12 =	vlt.f32 v19, $5.000000000e+00;
	s31 =	sadd.s32 $0x9, s29;
	v13 =	vmul.f32 v55, v61;
	v61 =	vmul.f32 v58, v36  }
0xa3: {  	v12 =	vadd.f32 $1.000000000e+00, v60;
	v63 =	vadd.f32 $1.000000000e+00, v59;
	v36 =	vadd.s32 s31, v1  }
0xa4: {  	v46 =	vsub.f32 $2.400000020e-02, v42;
	v53 =	vmul.f32 $1.919999950e-03, v23;
	v21 =	vmul.f32 v61, v58  }
0xa5: {  	v50 =	vmul.f32 $9.999999770e-03, v22;
	v39 =	vnsel vm12, $0x0, v12;
	v43 =	vmul.f32 v63, v59  }
0xa6: {  	v20 =	vmul.f32 v24, v25;
	v54 =	vsub.f32 $2.400000020e-02, v53;
	v45 =	vsub.f32 $1.500000000e+00, v21  }
0xa7: {  	v26 =	vmul.f32 v13, v26;
	v44 =	vld.idx.msk [tilespmem:v9+s6+$0x0], $0xffff;
	v47 =	vshrl.u32 v43, $0x1;
	v37 =	vmul.f32 $5.000000000e-01, v43  }
0xa8: {  	v57 =	vmul.f32 v54, v23;
	v40 =	vsub.s32 $0x5F3759DF, v47;
	v29 =	vld.idx.msk [tilespmem:v36+s15+$0x0], $0xffff;
	v28 =	vmul.f32 v45, v58  }
0xa9: {  	v12 =	vld.idx.msk [tilespmem:v27+s16+$0x0], $0xffff;
	v13 =	vsub.f32 v13, v19;
	v21 =	vmul.f32 v46, v22;
	v48 =	vmul.f32 v40, v37  }
0xaa: {  	v24 =	vld.idx.msk [tilespmem:v56+s6+$0x0], $0xffff;
	v59 =	vmul.f32 v59, v23;
	v25 =	vadd.f32 v26, v62;
	v41 =	vmul.f32 v28, v22  }
0xab: {  	v13 =	vmul.f32 $9.999999770e-03, v13;
	v21 =	vadd.f32 $-7.999999820e-02, v21;
	v30 =	vmul.f32 v40, v48  }
0xac: {  	v27 =	vld.idx.msk [tilespmem:v27+s17+$0x0], $0xffff;
	v26 =	vsub.f32 v55, v26;
	v38 =	vmul.f32 $7.199822900e+00, v44;
	v49 =	vmul.f32 v41, v34  }
0xad: {  	v21 =	vmul.f32 v21, v31;
	v30 =	vsub.f32 $1.500000000e+00, v30;
	v31 =	vmul.f32 v29, v29  }
0xae: {  	v25 =	vadd.f32 $-2.000000030e-01, v25;
	v13 =	vadd.f32 v13, v26;
	v28 =	vmul.f32 v49, v28  }
0xaf: {  	v24 =	vmul.f32 v24, v38;
	v30 =	vmul.f32 v40, v30;
	v38 =	vadd.f32 $1.000000000e+00, v31  }
0xb0: {  	s31 =	sadd.s32 $0xA, s29;
	v13 =	vmul.f32 v13, v39;
	v26 =	vsub.f32 v49, v22;
	v34 =	vadd.f32 v28, v50  }
0xb1: {  	v37 =	vmul.f32 v30, v37;
	v28 =	vsub.f32 v41, v28;
	v41 =	vadd.s32 s31, v1  }
0xb2: {  	vm13 =	vlt.f32 v22, $5.000000000e+00;
	v51 =	vld.idx.msk [tilespmem:v12+s6+$0x0], $0xffff;
	v52 =	vmul.f32 v38, v31;
	v26 =	vmul.f32 $9.999999770e-03, v26  }
0xb3: {  	v13 =	vadd.f32 v13, v25;
	v21 =	vadd.f32 $1.000000000e+00, v21;
	v37 =	vmul.f32 v37, v30  }
0xb4: {  	v27 =	vld.idx.msk [tilespmem:v27+s6+$0x0], $0xffff;
	v42 =	vshrl.u32 v52, $0x1;
	v40 =	vmul.f32 $5.000000000e-01, v52;
	v26 =	vadd.f32 v26, v28  }
0xb5: {  	v21 =	vnsel vm13, $0x0, v21;
	v42 =	vsub.s32 $0x5F3759DF, v42;
	v37 =	vsub.f32 $1.500000000e+00, v37  }
0xb6: {  	v34 =	vadd.f32 $-2.000000030e-01, v34;
	v43 =	vmul.f32 v42, v40;
	v21 =	vmul.f32 v26, v21;
	v25 =	vld.idx.msk [tilespmem:v41+s15+$0x0], $0xffff  }
0xb7: {  	vm8 =	vle.f32 v19, $1.000000000e+01;
	v39 =	vmul.f32 $7.199822900e+00, v51;
	v55 =	vmul.f32 v37, v30  }
0xb8: {  	v56 =	vmul.f32 v42, v43;
	v34 =	vadd.f32 v21, v34;
	v21 =	vmul.f32 v13, v24;
	v13 =	vld.idx.msk [tilespmem:v35+s16+$0x0], $0xffff  }
0xb9: {  	v60 =	vadd.f32 $-7.999999820e-02, v57;
	v27 =	vmul.f32 v27, v39;
	v48 =	vmul.f32 $1.919999950e-03, v29  }
0xba: {  	v61 =	vld.idx.msk [tilespmem:v35+s17+$0x0], $0xffff;
	v47 =	vmul.f32 $9.999999770e-03, v23;
	v58 =	vmul.f32 v55, v23;
	v30 =	vsub.f32 $1.500000000e+00, v56  }
0xbb: {  	s31 =	sadd.s32 $0xB, s29;
	v37 =	vsub.f32 $2.400000020e-02, v48;
	v26 =	vmul.f32 v34, v27;
	v32 =	vmul.f32 v25, v25  }
0xbc: {  	v39 =	vadd.s32 s31, v1;
	v27 =	vmul.f32 v60, v59;
	v30 =	vmul.f32 v42, v30  }
0xbd: {  	v31 =	vmul.f32 v31, v29;
	v52 =	vmul.f32 v37, v29;
	v35 =	vadd.f32 $1.000000000e+00, v32  }
0xbe: {  	v14 =	vld.idx.msk [tilespmem:v36+s16+$0x0], $0xffff;
	v62 =	vmul.f32 v58, v63;
	v27 =	vadd.f32 $1.000000000e+00, v27;
	v46 =	vmul.f32 v30, v40  }
0xbf: {  	vm4 =	vlt.f32 v23, $5.000000000e+00;
	v36 =	vld.idx.msk [tilespmem:v36+s17+$0x0], $0xffff;
	v59 =	vmul.f32 $9.999999770e-03, v29;
	v49 =	vmul.f32 v35, v32  }
0xc0: {  	v63 =	vmul.f32 v62, v55;
	v27 =	vnsel vm4, $0x0, v27;
	v28 =	vmul.f32 v46, v30;
	v50 =	vld.idx.msk [tilespmem:v13+s6+$0x0], $0xffff  }
0xc1: {  	v24 =	vld.idx.msk [tilespmem:v39+s15+$0x0], $0xffff;
	v51 =	vsub.f32 v62, v23;
	v44 =	vshrl.u32 v49, $0x1;
	v40 =	vmul.f32 $5.000000000e-01, v49  }
0xc2: {  	v34 =	vld.idx.msk [tilespmem:v61+s6+$0x0], $0xffff;
	v62 =	vmul.f32 $1.919999950e-03, v25;
	v28 =	vsub.f32 $1.500000000e+00, v28;
	v53 =	vsub.s32 $0x5F3759DF, v44  }
0xc3: {  	v33 =	vadd.f32 v63, v47;
	v43 =	vmul.f32 $9.999999770e-03, v51;
	v44 =	vmul.f32 v53, v40  }
0xc4: {  	v16 =	vsub.f32 v58, v63;
	v32 =	vmul.f32 v32, v25;
	v28 =	vmul.f32 v28, v30  }
0xc5: {  	v48 =	vsub.f32 $2.400000020e-02, v62;
	v42 =	vmul.f32 $7.199822900e+00, v50;
	v54 =	vmul.f32 v53, v44  }
0xc6: {  	v62 =	vmul.f32 $1.919999950e-03, v24;
	v16 =	vadd.f32 v43, v16;
	v45 =	vmul.f32 v28, v29  }
0xc7: {  	v55 =	vmul.f32 v34, v42;
	v34 =	vmul.f32 v24, v24;
	v56 =	vsub.f32 $1.500000000e+00, v54  }
0xc8: {  	v30 =	vadd.f32 $-7.999999820e-02, v52;
	v27 =	vmul.f32 v16, v27;
	v38 =	vmul.f32 v45, v38  }
0xc9: {  	v57 =	vld.idx.msk [tilespmem:v14+s6+$0x0], $0xffff;
	v50 =	vmul.f32 v48, v25;
	v43 =	vadd.f32 $1.000000000e+00, v34;
	v37 =	vmul.f32 v53, v56  }
0xca: {  	vm5 =	vlt.f32 v29, $5.000000000e+00;
	v36 =	vld.idx.msk [tilespmem:v36+s6+$0x0], $0xffff;
	v30 =	vmul.f32 v30, v31;
	v28 =	vmul.f32 v38, v28  }
0xcb: {  	s31 =	sadd.s32 $0xC, s29;
	v33 =	vadd.f32 $-2.000000030e-01, v33;
	v16 =	vld.idx.msk [tilespmem:v41+s16+$0x0], $0xffff;
	v61 =	vmul.f32 v43, v34;
	v40 =	vmul.f32 v37, v40  }
0xcc: {  	v38 =	vsub.f32 v38, v29;
	v60 =	vsub.f32 v45, v28;
	v45 =	vadd.s32 s31, v1  }
0xcd: {  	v46 =	vshrl.u32 v61, $0x1;
	v47 =	vmul.f32 $5.000000000e-01, v61;
	v40 =	vmul.f32 v40, v37  }
0xce: {  	v42 =	vmul.f32 $7.199822900e+00, v57;
	v30 =	vadd.f32 $1.000000000e+00, v30;
	v54 =	vld.idx.msk [tilespmem:v41+s17+$0x0], $0xffff;
	v49 =	vsub.s32 $0x5F3759DF, v46  }
0xcf: {  	v38 =	vmul.f32 $9.999999770e-03, v38;
	v46 =	vmul.f32 v49, v47;
	v63 =	vsub.f32 $1.500000000e+00, v40  }
0xd0: {  	v27 =	vadd.f32 v27, v33;
	v36 =	vmul.f32 v36, v42;
	v58 =	vnsel vm5, $0x0, v30  }
0xd1: {  	v38 =	vadd.f32 v38, v60;
	v30 =	vld.idx.msk [tilespmem:v45+s15+$0x0], $0xffff;
	v51 =	vmul.f32 v49, v46;
	v37 =	vmul.f32 v63, v37  }
0xd2: {  	v27 =	vmul.f32 v27, v55;
	v53 =	vadd.f32 $-7.999999820e-02, v50;
	v28 =	vadd.f32 v28, v59  }
0xd3: {  	v38 =	vmul.f32 v38, v58;
	v58 =	vld.idx.msk [tilespmem:v16+s6+$0x0], $0xffff;
	v55 =	vsub.f32 $1.500000000e+00, v51;
	v52 =	vmul.f32 v37, v25  }
0xd4: {  	v34 =	vmul.f32 v34, v24;
	v32 =	vmul.f32 v53, v32;
	v28 =	vadd.f32 $-2.000000030e-01, v28  }
0xd5: {  	vm7 =	vlt.f32 v25, $5.000000000e+00;
	s31 =	sadd.s32 $0xD, s29;
	v56 =	vmul.f32 v49, v55;
	v35 =	vmul.f32 v52, v35  }
0xd6: {  	v42 =	vadd.s32 s31, v1;
	v28 =	vadd.f32 v38, v28;
	v63 =	vld.idx.msk [tilespmem:v54+s6+$0x0], $0xffff;
	v38 =	vmul.f32 v30, v30  }
0xd7: {  	v59 =	vmul.f32 v56, v47;
	v57 =	vmul.f32 v35, v37;
	v35 =	vsub.f32 v35, v25  }
0xd8: {  	v33 =	vmul.f32 v28, v36;
	v36 =	vmul.f32 $7.199822900e+00, v58;
	v41 =	vadd.f32 $1.000000000e+00, v38  }
0xd9: {  	v17 =	vld.idx.msk [tilespmem:v39+s16+$0x0], $0xffff;
	v37 =	vmul.f32 v59, v56;
	v40 =	vsub.f32 v52, v57;
	v35 =	vmul.f32 $9.999999770e-03, v35  }
0xda: {  	v61 =	vmul.f32 $9.999999770e-03, v25;
	v32 =	vadd.f32 $1.000000000e+00, v32;
	v60 =	vmul.f32 v41, v38  }
0xdb: {  	v36 =	vmul.f32 v63, v36;
	v51 =	vsub.f32 $1.500000000e+00, v37;
	v35 =	vadd.f32 v35, v40  }
0xdc: {  	v52 =	vshrl.u32 v60, $0x1;
	v44 =	vmul.f32 $5.000000000e-01, v60;
	v40 =	vsub.f32 $2.400000020e-02, v62  }
0xdd: {  	v28 =	vld.idx.msk [tilespmem:v42+s15+$0x0], $0xffff;
	v31 =	vadd.f32 v57, v61;
	v37 =	vsub.s32 $0x5F3759DF, v52;
	v53 =	vmul.f32 v51, v56  }
0xde: {  	v32 =	vnsel vm7, $0x0, v32;
	v57 =	vld.idx.msk [tilespmem:v39+s17+$0x0], $0xffff;
	v54 =	vmul.f32 v37, v44;
	v55 =	vmul.f32 v40, v24  }
0xdf: {  	v63 =	vmul.f32 $9.999999770e-03, v24;
	v31 =	vadd.f32 $-2.000000030e-01, v31;
	v32 =	vmul.f32 v35, v32  }
0xe0: {  	v56 =	vmul.f32 v53, v24;
	v48 =	vmul.f32 v37, v54;
	v35 =	vadd.f32 $-7.999999820e-02, v55  }
0xe1: {  	v49 =	vld.idx.msk [tilespmem:v17+s6+$0x0], $0xffff;
	v38 =	vmul.f32 v38, v30;
	v31 =	vadd.f32 v32, v31;
	v54 =	vmul.f32 $1.919999950e-03, v30  }
0xe2: {  	v58 =	vmul.f32 v56, v43;
	v59 =	vsub.f32 $1.500000000e+00, v48;
	v60 =	vmul.f32 v35, v34  }
0xe3: {  	vm9 =	vlt.f32 v24, $5.000000000e+00;
	v35 =	vmul.f32 v28, v28;
	v36 =	vmul.f32 v31, v36  }
0xe4: {  	v47 =	vsub.f32 $2.400000020e-02, v54;
	v39 =	vsub.f32 v58, v24;
	v61 =	vmul.f32 v37, v59  }
0xe5: {  	s31 =	sadd.s32 $0xE, s29;
	v62 =	vmul.f32 v58, v53;
	v19 =	vadd.f32 $1.000000000e+00, v60;
	v43 =	vadd.f32 $1.000000000e+00, v35  }
0xe6: {  	v32 =	vld.idx.msk [tilespmem:v57+s6+$0x0], $0xffff;
	v58 =	vmul.f32 $7.199822900e+00, v49;
	v53 =	vmul.f32 v61, v44;
	v44 =	vadd.s32 s31, v1  }
0xe7: {  	v47 =	vmul.f32 v47, v30;
	v55 =	vmul.f32 v43, v35;
	v52 =	vnsel vm9, $0x0, v19;
	v19 =	vld.idx.msk [tilespmem:v45+s16+$0x0], $0xffff  }
0xe8: {  	v40 =	vsub.f32 v56, v62;
	v39 =	vmul.f32 $9.999999770e-03, v39;
	v37 =	vadd.f32 v62, v63  }
0xe9: {  	v31 =	vmul.f32 v53, v61;
	v50 =	vshrl.u32 v55, $0x1;
	v48 =	vmul.f32 $5.000000000e-01, v55  }
0xea: {  	v56 =	vadd.f32 $-7.999999820e-02, v47;
	v39 =	vadd.f32 v39, v40;
	v50 =	vsub.s32 $0x5F3759DF, v50  }
0xeb: {  	v35 =	vmul.f32 v35, v28;
	v51 =	vsub.f32 $1.500000000e+00, v31;
	v53 =	vmul.f32 v50, v48;
	v31 =	vld.idx.msk [tilespmem:v44+s15+$0x0], $0xffff  }
0xec: {  	v37 =	vadd.f32 $-2.000000030e-01, v37;
	v32 =	vmul.f32 v32, v58;
	v39 =	vmul.f32 v39, v52  }
0xed: {  	vm11 =	vle.f32 v22, $1.000000000e+01;
	v34 =	vmul.f32 v51, v61;
	v57 =	vmul.f32 v50, v53  }
0xee: {  	v45 =	vld.idx.msk [tilespmem:v45+s17+$0x0], $0xffff;
	v58 =	vmul.f32 $1.919999950e-03, v28;
	v38 =	vmul.f32 v56, v38;
	v37 =	vadd.f32 v39, v37  }
0xef: {  	v56 =	vmul.f32 $9.999999770e-03, v30;
	v59 =	vmul.f32 v34, v30;
	v60 =	vsub.f32 $1.500000000e+00, v57;
	v62 =	vld.idx.msk [tilespmem:v19+s6+$0x0], $0xffff  }
0xf0: {  	v38 =	vadd.f32 $1.000000000e+00, v38;
	v39 =	vmul.f32 v37, v32;
	v46 =	vmul.f32 v31, v31  }
0xf1: {  	vm10 =	vlt.f32 v30, $5.000000000e+00;
	s31 =	sadd.s32 $0xF, s29;
	v41 =	vmul.f32 v59, v41;
	v40 =	vmul.f32 v50, v60  }
0xf2: {  	v37 =	vnsel vm10, $0x0, v38;
	v50 =	vadd.s32 s31, v1;
	v32 =	vadd.f32 $1.000000000e+00, v46  }
0xf3: {  	v34 =	vmul.f32 v41, v34;
	v61 =	vmul.f32 v40, v48;
	v41 =	vsub.f32 v41, v30  }
0xf4: {  	v22 =	vld.idx.msk [tilespmem:v42+s16+$0x0], $0xffff;
	v60 =	vsub.f32 $2.400000020e-02, v58;
	v47 =	vmul.f32 $7.199822900e+00, v62;
	v63 =	vmul.f32 v32, v46  }
0xf5: {  	v49 =	vsub.f32 v59, v34;
	v38 =	vmul.f32 v61, v40;
	v41 =	vmul.f32 $9.999999770e-03, v41  }
0xf6: {  	v45 =	vld.idx.msk [tilespmem:v45+s6+$0x0], $0xffff;
	v51 =	vadd.f32 v34, v56;
	v57 =	vshrl.u32 v63, $0x1;
	v48 =	vmul.f32 $5.000000000e-01, v63  }
0xf7: {  	v56 =	vmul.f32 $9.999999770e-03, v28;
	v34 =	vld.idx.msk [tilespmem:v50+s15+$0x0], $0xffff;
	v38 =	vsub.f32 $1.500000000e+00, v38;
	v52 =	vsub.s32 $0x5F3759DF, v57  }
0xf8: {  	v42 =	vld.idx.msk [tilespmem:v42+s17+$0x0], $0xffff;
	v46 =	vmul.f32 v46, v31;
	v41 =	vadd.f32 v41, v49;
	v59 =	vmul.f32 v52, v48  }
0xf9: {  	v15 =	vnsel vm14, $0x0, v15;
	v38 =	vmul.f32 v38, v40;
	v40 =	vmul.f32 v60, v28  }
0xfa: {  	v51 =	vadd.f32 $-2.000000030e-01, v51;
	v37 =	vmul.f32 v41, v37;
	v61 =	vmul.f32 v52, v59  }
0xfb: {  	v45 =	vmul.f32 v45, v47;
	v49 =	vmul.f32 v38, v28;
	v40 =	vadd.f32 $-7.999999820e-02, v40  }
0xfc: {  	v58 =	vld.idx.msk [tilespmem:v22+s6+$0x0], $0xffff;
	v37 =	vadd.f32 v37, v51;
	v51 =	vmul.f32 v34, v34;
	v41 =	vsub.f32 $1.500000000e+00, v61  }
0xfd: {  	v18 =	vnsel vm15, $0x0, v18;
	v43 =	vmul.f32 v49, v43;
	v62 =	vmul.f32 v40, v35  }
0xfe: {  	vm12 =	vle.f32 v23, $1.000000000e+01;
	v61 =	vmul.f32 $1.919999950e-03, v31;
	v47 =	vmul.f32 v52, v41  }
0xff: {  	vm13 =	vlt.f32 v28, $5.000000000e+00;
	s31 =	sadd.s32 $0x10, s29;
	v41 =	vmul.f32 v37, v45;
	v63 =	vmul.f32 v43, v38  }
0x100: {  	v42 =	vld.idx.msk [tilespmem:v42+s6+$0x0], $0xffff;
	v38 =	vadd.f32 $1.000000000e+00, v51;
	v40 =	vadd.f32 $1.000000000e+00, v62;
	v45 =	vadd.s32 s31, v1  }
0x101: {  	v60 =	vsub.f32 v43, v28;
	v43 =	vsub.f32 $2.400000020e-02, v61;
	v52 =	vmul.f32 $7.199822900e+00, v58  }
0x102: {  	v55 =	vmul.f32 v47, v48;
	v57 =	vmul.f32 v38, v51;
	v59 =	vadd.f32 v63, v56  }
0x103: {  	v49 =	vsub.f32 v49, v63;
	v40 =	vnsel vm13, $0x0, v40;
	v43 =	vmul.f32 v43, v31  }
0x104: {  	v37 =	vmul.f32 v55, v47;
	v54 =	vshrl.u32 v57, $0x1;
	v48 =	vmul.f32 $5.000000000e-01, v57  }
0x105: {  	v23 =	vld.idx.msk [tilespmem:v44+s16+$0x0], $0xffff;
	v42 =	vmul.f32 v42, v52;
	v55 =	vmul.f32 $9.999999770e-03, v60;
	v54 =	vsub.s32 $0x5F3759DF, v54  }
0x106: {  	v51 =	vmul.f32 v51, v34;
	v35 =	vld.idx.msk [tilespmem:v45+s15+$0x0], $0xffff;
	v37 =	vsub.f32 $1.500000000e+00, v37;
	v62 =	vmul.f32 v54, v48  }
0x107: {  	v43 =	vadd.f32 $-7.999999820e-02, v43;
	v57 =	vmul.f32 $1.919999950e-03, v34;
	v49 =	vadd.f32 v55, v49  }
0x108: {  	v53 =	vadd.f32 $-2.000000030e-01, v59;
	v37 =	vmul.f32 v37, v47;
	v47 =	vmul.f32 v54, v62  }
0x109: {  	v44 =	vld.idx.msk [tilespmem:v44+s17+$0x0], $0xffff;
	v59 =	vmul.f32 v43, v46;
	v57 =	vsub.f32 $2.400000020e-02, v57;
	v40 =	vmul.f32 v49, v40  }
0x10a: {  	v62 =	vmul.f32 $9.999999770e-03, v31;
	v63 =	vmul.f32 v37, v31;
	v47 =	vsub.f32 $1.500000000e+00, v47  }
0x10b: {  	v20 =	vnsel vm6, $0x0, v20;
	v57 =	vmul.f32 v57, v34;
	v43 =	vmul.f32 v35, v35  }
0x10c: {  	vm14 =	vlt.f32 v31, $5.000000000e+00;
	s31 =	sadd.s32 $0x11, s29;
	v58 =	vmul.f32 v63, v32;
	v60 =	vmul.f32 v54, v47  }
0x10d: {  	v40 =	vadd.f32 v40, v53;
	v53 =	vadd.s32 s31, v1;
	v52 =	vadd.f32 $1.000000000e+00, v43  }
0x10e: {  	v61 =	vld.idx.msk [tilespmem:v23+s6+$0x0], $0xffff;
	v46 =	vadd.f32 $-7.999999820e-02, v57;
	v37 =	vmul.f32 v58, v37;
	v48 =	vmul.f32 v60, v48  }
0x10f: {  	v32 =	vnsel vm12, $0x0, v27;
	v49 =	vsub.f32 v58, v31;
	v56 =	vmul.f32 v52, v43  }
0x110: {  	v27 =	vadd.f32 $1.000000000e+00, v59;
	v55 =	vsub.f32 v63, v37;
	v48 =	vmul.f32 v48, v60  }
0x111: {  	v44 =	vld.idx.msk [tilespmem:v44+s6+$0x0], $0xffff;
	v49 =	vmul.f32 $9.999999770e-03, v49;
	v58 =	vshrl.u32 v56, $0x1;
	v56 =	vmul.f32 $5.000000000e-01, v56  }
0x112: {  	v54 =	vadd.f32 v37, v62;
	v37 =	vld.idx.msk [tilespmem:v53+s15+$0x0], $0xffff;
	v58 =	vsub.s32 $0x5F3759DF, v58;
	v48 =	vsub.f32 $1.500000000e+00, v48  }
0x113: {  	v47 =	vmul.f32 $7.199822900e+00, v61;
	v59 =	vmul.f32 v58, v56;
	v49 =	vadd.f32 v49, v55  }
0x114: {  	v61 =	vmul.f32 v46, v51;
	v27 =	vnsel vm14, $0x0, v27;
	v63 =	vmul.f32 v48, v60  }
0x115: {  	v54 =	vadd.f32 $-2.000000030e-01, v54;
	v60 =	vmul.f32 v58, v59;
	v49 =	vmul.f32 v49, v27  }
0x116: {  	vm15 =	vle.f32 v29, $1.000000000e+01;
	v44 =	vmul.f32 v44, v47;
	v55 =	vmul.f32 v63, v34  }
0x117: {  	v27 =	vld.idx.msk [tilespmem:v50+s16+$0x0], $0xffff;
	v48 =	vsub.f32 $1.500000000e+00, v60;
	v49 =	vadd.f32 v49, v54;
	v54 =	vmul.f32 v37, v37  }
0x118: {  	vm6 =	vle.f32 v25, $1.000000000e+01;
	v46 =	vmul.f32 v40, v42;
	v38 =	vmul.f32 v55, v38  }
0x119: {  	v48 =	vmul.f32 v58, v48;
	v40 =	vmul.f32 v49, v44;
	v44 =	vadd.f32 $1.000000000e+00, v54  }
0x11a: {  	vm4 =	vlt.f32 v34, $5.000000000e+00;
	v49 =	vmul.f32 $9.999999770e-03, v34;
	v42 =	vmul.f32 v38, v63  }
0x11b: {  	s31 =	sadd.s32 $0x12, s29;
	v47 =	vadd.f32 $1.000000000e+00, v61;
	v62 =	vmul.f32 v48, v56;
	v63 =	vmul.f32 v44, v54  }
0x11c: {  	v50 =	vld.idx.msk [tilespmem:v50+s17+$0x0], $0xffff;
	v58 =	vadd.s32 s31, v1;
	v38 =	vsub.f32 v38, v34;
	v56 =	vmul.f32 $1.919999950e-03, v35  }
0x11d: {  	v29 =	vmul.f32 v62, v48;
	v57 =	vshrl.u32 v63, $0x1;
	v51 =	vmul.f32 $5.000000000e-01, v63  }
0x11e: {  	v56 =	vsub.f32 $2.400000020e-02, v56;
	v55 =	vsub.f32 v55, v42;
	v57 =	vsub.s32 $0x5F3759DF, v57  }
0x11f: {  	v59 =	vld.idx.msk [tilespmem:v27+s6+$0x0], $0xffff;
	v38 =	vmul.f32 $9.999999770e-03, v38;
	v60 =	vsub.f32 $1.500000000e+00, v29;
	v61 =	vmul.f32 v57, v51  }
0x120: {  	vm5 =	vlt.f32 v35, $5.000000000e+00;
	v49 =	vadd.f32 v42, v49;
	v29 =	vld.idx.msk [tilespmem:v45+s16+$0x0], $0xffff;
	v56 =	vmul.f32 v56, v35  }
0x121: {  	v42 =	vld.idx.msk [tilespmem:v58+s15+$0x0], $0xffff;
	v38 =	vadd.f32 v38, v55;
	v48 =	vmul.f32 v60, v48;
	v55 =	vmul.f32 v57, v61  }
0x122: {  	v43 =	vmul.f32 v43, v35;
	v47 =	vnsel vm4, $0x0, v47;
	v56 =	vadd.f32 $-7.999999820e-02, v56  }
0x123: {  	v45 =	vld.idx.msk [tilespmem:v45+s17+$0x0], $0xffff;
	v47 =	vmul.f32 v38, v47;
	v60 =	vmul.f32 v48, v35;
	v55 =	vsub.f32 $1.500000000e+00, v55  }
0x124: {  	v50 =	vld.idx.msk [tilespmem:v50+s6+$0x0], $0xffff;
	v49 =	vadd.f32 $-2.000000030e-01, v49;
	v61 =	vmul.f32 $1.919999950e-03, v37;
	v43 =	vmul.f32 v56, v43  }
0x125: {  	v38 =	vnsel vm15, $0x0, v33;
	v52 =	vmul.f32 v60, v52;
	v33 =	vmul.f32 v57, v55  }
0x126: {  	v59 =	vmul.f32 $7.199822900e+00, v59;
	v43 =	vadd.f32 $1.000000000e+00, v43;
	v55 =	vmul.f32 v42, v42  }
0x127: {  	s31 =	sadd.s32 $0x13, s29;
	v47 =	vadd.f32 v47, v49;
	v48 =	vmul.f32 v52, v48;
	v51 =	vmul.f32 v33, v51  }
0x128: {  	v49 =	vld.idx.msk [tilespmem:v29+s6+$0x0], $0xffff;
	v56 =	vnsel vm5, $0x0, v43;
	v43 =	vsub.f32 v52, v35;
	v52 =	vadd.s32 s31, v1  }
0x129: {  	v50 =	vmul.f32 v50, v59;
	v57 =	vmul.f32 $9.999999770e-03, v35;
	v59 =	vadd.f32 $1.000000000e+00, v55  }
0x12a: {  	v51 =	vmul.f32 v51, v33;
	v60 =	vsub.f32 v60, v48;
	v43 =	vmul.f32 $9.999999770e-03, v43  }
0x12b: {  	v61 =	vsub.f32 $2.400000020e-02, v61;
	v45 =	vld.idx.msk [tilespmem:v45+s6+$0x0], $0xffff;
	v48 =	vadd.f32 v48, v57;
	v57 =	vmul.f32 v59, v55  }
0x12c: {  	[tilespmem:$0x1FFE0] =	vst v0;
	v0 =	vmul.f32 $1.919999950e-03, v42;
	v51 =	vsub.f32 $1.500000000e+00, v51;
	v60 =	vadd.f32 v43, v60  }
0x12d: {  	v62 =	vshrl.u32 v57, $0x1;
	v57 =	vmul.f32 $5.000000000e-01, v57;
	v49 =	vmul.f32 $7.199822900e+00, v49;
	v43 =	vld.idx.msk [tilespmem:v52+s15+$0x0], $0xffff  }
0x12e: {  	v56 =	vmul.f32 v60, v56;
	v60 =	vmul.f32 v61, v37;
	v61 =	vsub.s32 $0x5F3759DF, v62  }
0x12f: {  	v48 =	vadd.f32 $-2.000000030e-01, v48;
	v51 =	vmul.f32 v51, v33;
	v33 =	vld.idx.msk [tilespmem:v53+s16+$0x0], $0xffff;
	v63 =	vmul.f32 v61, v57  }
0x130: {  	v45 =	vmul.f32 v45, v49;
	v49 =	vmul.f32 v54, v37;
	v54 =	vadd.f32 $-7.999999820e-02, v60  }
0x131: {  	vm7 =	vlt.f32 v37, $5.000000000e+00;
	v53 =	vld.idx.msk [tilespmem:v53+s17+$0x0], $0xffff;
	v62 =	vmul.f32 v51, v37;
	v60 =	vmul.f32 v61, v63  }
0x132: {  	v56 =	vadd.f32 v56, v48;
	v54 =	vmul.f32 v54, v49;
	v49 =	vmul.f32 v43, v43  }
0x133: {  	v48 =	vmul.f32 v47, v50;
	v44 =	vmul.f32 v62, v44;
	v60 =	vsub.f32 $1.500000000e+00, v60  }
0x134: {  	v47 =	vmul.f32 v56, v45;
	v25 =	vadd.f32 $1.000000000e+00, v54;
	v54 =	vadd.f32 $1.000000000e+00, v49  }
0x135: {  	s31 =	sadd.s32 $0x14, s29;
	v50 =	vmul.f32 v44, v51;
	v44 =	vsub.f32 v44, v37;
	v45 =	vmul.f32 v61, v60  }
0x136: {  	v63 =	vadd.s32 s31, v1;
	v56 =	vnsel vm7, $0x0, v25;
	v60 =	vmul.f32 v54, v49  }
0x137: {  	v51 =	vld.idx.msk [tilespmem:v33+s6+$0x0], $0xffff;
	v61 =	vsub.f32 v62, v50;
	v44 =	vmul.f32 $9.999999770e-03, v44;
	v57 =	vmul.f32 v45, v57  }
0x138: {  	v25 =	vmul.f32 $9.999999770e-03, v37;
	v62 =	vshrl.u32 v60, $0x1;
	v60 =	vmul.f32 $5.000000000e-01, v60  }
0x139: {  	v53 =	vld.idx.msk [tilespmem:v53+s6+$0x0], $0xffff;
	v44 =	vadd.f32 v44, v61;
	v57 =	vmul.f32 v57, v45;
	v62 =	vsub.s32 $0x5F3759DF, v62  }
0x13a: {  	v50 =	vadd.f32 v50, v25;
	v61 =	vmul.f32 v62, v60  }
0x13b: {  	v0 =	vsub.f32 $2.400000020e-02, v0;
	v56 =	vmul.f32 v44, v56;
	v57 =	vsub.f32 $1.500000000e+00, v57  }
0x13c: {  	v25 =	vld.idx.msk [tilespmem:v58+s16+$0x0], $0xffff;
	v50 =	vadd.f32 $-2.000000030e-01, v50;
	v51 =	vmul.f32 $7.199822900e+00, v51;
	v61 =	vmul.f32 v62, v61  }
0x13d: {  	v0 =	vmul.f32 v0, v42;
	v44 =	vnsel vm6, $0x0, v36;
	v36 =	vld.idx.msk [tilespmem:v63+s15+$0x0], $0xffff;
	v57 =	vmul.f32 v57, v45  }
0x13e: {  	v50 =	vadd.f32 v56, v50;
	v45 =	vmul.f32 v53, v51;
	v61 =	vsub.f32 $1.500000000e+00, v61  }
0x13f: {  	v55 =	vmul.f32 v55, v42;
	v0 =	vadd.f32 $-7.999999820e-02, v0;
	v56 =	vmul.f32 v57, v42  }
0x140: {  	v21 =	vnsel vm8, $0x0, v21;
	v51 =	vmul.f32 v50, v45;
	v50 =	vld.idx.msk [tilespmem:v58+s17+$0x0], $0xffff;
	v53 =	vmul.f32 v62, v61  }
0x141: {  	vm8 =	vle.f32 v24, $1.000000000e+01;
	v0 =	vmul.f32 v0, v55;
	v62 =	vmul.f32 v56, v59  }
0x142: {  	vm9 =	vle.f32 v30, $1.000000000e+01;
	v55 =	vmul.f32 v36, v36;
	v61 =	vmul.f32 v53, v60  }
0x143: {  	vm10 =	vlt.f32 v42, $5.000000000e+00;
	v57 =	vmul.f32 v62, v57;
	v24 =	vsub.f32 v62, v42  }
0x144: {  	v45 =	vnsel vm8, $0x0, v39;
	v58 =	vadd.f32 $1.000000000e+00, v55;
	v39 =	vmul.f32 v61, v53  }
0x145: {  	v30 =	vld.idx.msk [tilespmem:v25+s6+$0x0], $0xffff;
	v59 =	vmul.f32 $9.999999770e-03, v42;
	v56 =	vsub.f32 v56, v57;
	v24 =	vmul.f32 $9.999999770e-03, v24  }
0x146: {  	v0 =	vadd.f32 $1.000000000e+00, v0;
	v60 =	vmul.f32 v58, v55;
	v39 =	vsub.f32 $1.500000000e+00, v39  }
0x147: {  	v61 =	vmul.f32 $1.919999950e-03, v43;
	v57 =	vadd.f32 v57, v59;
	v56 =	vadd.f32 v24, v56;
	v24 =	vld.idx.msk [tilespmem:v52+s16+$0x0], $0xffff  }
0x148: {  	s31 =	sadd.s32 $0x15, s29;
	v62 =	vld.idx.msk [tilespmem:v50+s6+$0x0], $0xffff;
	v50 =	vshrl.u32 v60, $0x1;
	v39 =	vmul.f32 v39, v53;
	v53 =	vmul.f32 $5.000000000e-01, v60  }
0x149: {  	v60 =	vsub.f32 $2.400000020e-02, v61;
	v61 =	vsub.s32 $0x5F3759DF, v50;
	v50 =	vadd.s32 s31, v1  }
0x14a: {  	v0 =	vnsel vm10, $0x0, v0;
	v30 =	vmul.f32 $7.199822900e+00, v30;
	v52 =	vld.idx.msk [tilespmem:v52+s17+$0x0], $0xffff  }
0x14b: {  	v57 =	vadd.f32 $-2.000000030e-01, v57;
	v0 =	vmul.f32 v56, v0;
	v1 =	vmul.f32 v61, v53  }
0x14c: {  	v59 =	vmul.f32 v39, v43;
	v56 =	vmul.f32 v60, v43  }
0x14d: {  	v0 =	vadd.f32 v0, v57;
	v1 =	vmul.f32 v61, v1;
	v60 =	vmul.f32 v62, v30  }
0x14e: {  	v26 =	vnsel vm11, $0x0, v26;
	v49 =	vmul.f32 v49, v43;
	v54 =	vmul.f32 v59, v54;
	v30 =	vld.idx.msk [tilespmem:v50+s15+$0x0], $0xffff  }
0x14f: {  	v56 =	vadd.f32 $-7.999999820e-02, v56;
	v1 =	vsub.f32 $1.500000000e+00, v1;
	v2 =	vmul.f32 v0, v60;
	v0 =	vld [tilespmem:$0x1FFF0]  }
0x150: {  	v62 =	vmul.f32 $9.999999770e-03, v43;
	v39 =	vmul.f32 v54, v39;
	v54 =	vsub.f32 v54, v43;
	v57 =	vld.idx.msk [tilespmem:v24+s6+$0x0], $0xffff  }
0x151: {  	vm11 =	vle.f32 v28, $1.000000000e+01;
	v28 =	vmul.f32 v56, v49;
	v1 =	vmul.f32 v61, v1  }
0x152: {  	v52 =	vld.idx.msk [tilespmem:v52+s6+$0x0], $0xffff;
	v60 =	vadd.f32 v39, v62;
	v39 =	vsub.f32 v59, v39;
	v54 =	vmul.f32 $9.999999770e-03, v54  }
0x153: {  	v56 =	vadd.f32 $1.000000000e+00, v28;
	v59 =	vmul.f32 $1.919999950e-03, v36  }
0x154: {  	s31 =	sadd.s32 $0x16, s29;
	v28 =	vld.idx.msk [tilespmem:v63+s16+$0x0], $0xffff;
	v53 =	vmul.f32 v1, v53;
	v61 =	vmul.f32 v30, v30;
	v39 =	vadd.f32 v54, v39  }
0x155: {  	v59 =	vsub.f32 $2.400000020e-02, v59;
	v49 =	vadd.s32 s31, v0;
	v54 =	vmul.f32 $7.199822900e+00, v57  }
0x156: {  	vm12 =	vlt.f32 v43, $5.000000000e+00;
	v53 =	vmul.f32 v53, v1;
	v62 =	vadd.f32 $1.000000000e+00, v61  }
0x157: {  	v56 =	vnsel vm12, $0x0, v56;
	v57 =	vld.idx.msk [tilespmem:v63+s17+$0x0], $0xffff;
	v63 =	vmul.f32 v59, v36;
	v52 =	vmul.f32 v52, v54  }
0x158: {  	v54 =	vmul.f32 v39, v56;
	v39 =	vsub.f32 $1.500000000e+00, v53;
	v56 =	vmul.f32 v62, v61  }
0x159: {  	v55 =	vmul.f32 v55, v36;
	v59 =	vadd.f32 $-2.000000030e-01, v60;
	v53 =	vadd.f32 $-7.999999820e-02, v63  }
0x15a: {  	v1 =	vmul.f32 v39, v1;
	v39 =	vld.idx.msk [tilespmem:v49+s15+$0x0], $0xffff;
	v60 =	vshrl.u32 v56, $0x1;
	v56 =	vmul.f32 $5.000000000e-01, v56  }
0x15b: {  	vm13 =	vle.f32 v31, $1.000000000e+01;
	v53 =	vmul.f32 v53, v55;
	v60 =	vsub.s32 $0x5F3759DF, v60  }
0x15c: {  	v54 =	vadd.f32 v54, v59;
	v31 =	vld.idx.msk [tilespmem:v28+s6+$0x0], $0xffff;
	v59 =	vmul.f32 v1, v36;
	v55 =	vmul.f32 v60, v56  }
0x15d: {  	vm14 =	vle.f32 v34, $1.000000000e+01;
	vm15 =	vle.f32 v35, $1.000000000e+01  }
0x15e: {  	v34 =	vmul.f32 v59, v58;
	v58 =	vadd.f32 $1.000000000e+00, v53;
	v53 =	vmul.f32 v60, v55  }
0x15f: {  	vm2 =	vlt.f32 v36, $5.000000000e+00;
	v63 =	vmul.f32 v54, v52;
	v54 =	vld.idx.msk [tilespmem:v57+s6+$0x0], $0xffff;
	v55 =	vmul.f32 v39, v39  }
0x160: {  	v1 =	vmul.f32 v34, v1;
	v34 =	vsub.f32 v34, v36;
	v53 =	vsub.f32 $1.500000000e+00, v53  }
0x161: {  	v31 =	vmul.f32 $7.199822900e+00, v31;
	v57 =	vnsel vm2, $0x0, v58;
	v52 =	vadd.f32 $1.000000000e+00, v55  }
0x162: {  	v58 =	vsub.f32 v59, v1;
	v34 =	vmul.f32 $9.999999770e-03, v34;
	v35 =	vmul.f32 v60, v53  }
0x163: {  	v60 =	vmul.f32 v52, v55  }
0x164: {  	v34 =	vadd.f32 v34, v58;
	v58 =	vmul.f32 v54, v31;
	v31 =	vmul.f32 v35, v56  }
0x165: {  	v54 =	vshrl.u32 v60, $0x1;
	v56 =	vmul.f32 $5.000000000e-01, v60;
	v60 =	vmul.f32 $1.919999950e-03, v30  }
0x166: {  	v41 =	vnsel vm9, $0x0, v41;
	v53 =	vld [tilespmem:$0x1FFF0]  }
0x167: {  	v46 =	vnsel vm11, $0x0, v46;
	v34 =	vmul.f32 v34, v57;
	v57 =	vsub.f32 $2.400000020e-02, v60;
	v60 =	vld [tilespmem:$0x1FFF0]  }
0x168: {  	vm4 =	vle.f32 v37, $1.000000000e+01;
	vm5 =	vle.f32 v42, $1.000000000e+01;
	v59 =	vmul.f32 $9.999999770e-03, v36  }
0x169: {  	v48 =	vnsel vm14, $0x0, v48;
	vm6 =	vle.f32 v43, $1.000000000e+01;
	v37 =	vnsel vm4, $0x0, v51  }
0x16a: {  	[tilespmem:v3+s22+$0x0] =	vst.idx.add.f32.msk $0xffff, v10;
	s31 =	sadd.s32 $0x17, s29;
	v3 =	vmul.f32 $1.919999950e-03, v39;
	v1 =	vadd.f32 v1, v59;
	v0 =	vsub.s32 $0x5F3759DF, v54  }
0x16b: {  	v31 =	vmul.f32 v31, v35;
	v53 =	vadd.s32 s31, v53;
	v59 =	vmul.f32 v0, v56;
	s31 =	sadd.s32 $0x18, s29  }
0x16c: {  	v3 =	vsub.f32 $2.400000020e-02, v3;
	v1 =	vadd.f32 $-2.000000030e-01, v1;
	v54 =	vadd.s32 s31, v60  }
0x16d: {  	[tilespmem:v5+s22+$0x0] =	vst.idx.add.f32.msk $0xffff, v15;
	v31 =	vsub.f32 $1.500000000e+00, v31;
	v59 =	vmul.f32 v0, v59;
	v57 =	vmul.f32 v57, v30  }
0x16e: {  	v15 =	vmul.f32 v55, v39;
	v51 =	vmul.f32 v3, v39;
	v1 =	vadd.f32 v34, v1  }
0x16f: {  	[tilespmem:v7+s22+$0x0] =	vst.idx.add.f32.msk $0xffff, v18;
	v35 =	vmul.f32 v31, v35;
	v34 =	vsub.f32 $1.500000000e+00, v59;
	v57 =	vadd.f32 $-7.999999820e-02, v57  }
0x170: {  	v60 =	vnsel vm13, $0x0, v40;
	v31 =	vld.idx.msk [tilespmem:v53+s15+$0x0], $0xffff;
	v40 =	vnsel vm15, $0x0, v47;
	v47 =	vmul.f32 v61, v30  }
0x171: {  	v7 =	vadd.f32 $-7.999999820e-02, v51;
	v59 =	vmul.f32 v35, v30;
	v61 =	vmul.f32 v0, v34;
	v34 =	vld.idx.msk [tilespmem:v54+s15+$0x0], $0xffff  }
0x172: {  	vm11 =	vle.f32 v36, $1.000000000e+01;
	v0 =	vmul.f32 v1, v58;
	v1 =	vmul.f32 v57, v47;
	v57 =	vld [tilespmem:$0x1FFE0]  }
0x173: {  	v2 =	vnsel vm5, $0x0, v2;
	v5 =	vmul.f32 $9.999999770e-03, v30;
	v7 =	vmul.f32 v7, v15  }
0x174: {  	vm7 =	vlt.f32 v30, $5.000000000e+00;
	v3 =	vld.idx.msk [tilespmem:v50+s16+$0x0], $0xffff;
	v58 =	vmul.f32 v59, v62;
	v62 =	vmul.f32 v61, v56  }
0x175: {  	[tilespmem:v14+s22+$0x0] =	vst.idx.add.f32.msk $0xffff, v38;
	vm12 =	vle.f32 v30, $1.000000000e+01;
	v14 =	vnsel vm6, $0x0, v63;
	v10 =	vmul.f32 v31, v31  }
0x176: {  	[tilespmem:v4+s22+$0x0] =	vst.idx.add.f32.msk $0xffff, v11;
	v7 =	vadd.f32 $1.000000000e+00, v7;
	v42 =	vmul.f32 v62, v61;
	v11 =	vmul.f32 v34, v34  }
0x177: {  	vm8 =	vlt.f32 v39, $5.000000000e+00;
	v35 =	vmul.f32 v58, v35;
	v4 =	vadd.f32 $1.000000000e+00, v10  }
0x178: {  	[tilespmem:v8+s22+$0x0] =	vst.idx.add.f32.msk $0xffff, v20;
	v7 =	vnsel vm8, $0x0, v7;
	v47 =	vsub.f32 $1.500000000e+00, v42;
	v42 =	vadd.f32 $1.000000000e+00, v11  }
0x179: {  	v5 =	vadd.f32 v35, v5;
	v35 =	vsub.f32 v59, v35;
	v56 =	vmul.f32 v4, v10  }
0x17a: {  	vm13 =	vle.f32 v39, $1.000000000e+01;
	[tilespmem:v57+s22+$0x0] =	vst.idx.add.f32.msk $0xffff, v6;
	v6 =	vsub.f32 v58, v30;
	v58 =	vmul.f32 v42, v11  }
0x17b: {  	[tilespmem:v9+s22+$0x0] =	vst.idx.add.f32.msk $0xffff, v21;
	v8 =	vmul.f32 v47, v61;
	v57 =	vshrl.u32 v56, $0x1;
	v18 =	vmul.f32 $5.000000000e-01, v56  }
0x17c: {  	v59 =	vld.idx.msk [tilespmem:v3+s6+$0x0], $0xffff;
	v9 =	vsub.s32 $0x5F3759DF, v57;
	v62 =	vshrl.u32 v58, $0x1;
	v47 =	vmul.f32 $5.000000000e-01, v58  }
0x17d: {  	[tilespmem:v12+s22+$0x0] =	vst.idx.add.f32.msk $0xffff, v26;
	v1 =	vadd.f32 $1.000000000e+00, v1;
	v55 =	vmul.f32 v9, v18;
	v12 =	vsub.s32 $0x5F3759DF, v62  }
0x17e: {  	v0 =	vnsel vm11, $0x0, v0;
	v51 =	vmul.f32 $1.919999950e-03, v34;
	v57 =	vmul.f32 v12, v47  }
0x17f: {  	[tilespmem:v13+s22+$0x0] =	vst.idx.add.f32.msk $0xffff, v32;
	vm9 =	vlt.f32 v31, $5.000000000e+00;
	v1 =	vnsel vm7, $0x0, v1;
	v13 =	vmul.f32 v9, v55  }
0x180: {  	[tilespmem:v19+s22+$0x0] =	vst.idx.add.f32.msk $0xffff, v41;
	v61 =	vmul.f32 $1.919999950e-03, v31;
	v26 =	vsub.f32 $2.400000020e-02, v51;
	v15 =	vmul.f32 v12, v57  }
0x181: {  	[tilespmem:v22+s22+$0x0] =	vst.idx.add.f32.msk $0xffff, v46;
	v10 =	vmul.f32 v10, v31;
	v63 =	vmul.f32 $7.199822900e+00, v59;
	v13 =	vsub.f32 $1.500000000e+00, v13  }
0x182: {  	[tilespmem:v27+s22+$0x0] =	vst.idx.add.f32.msk $0xffff, v48;
	v32 =	vmul.f32 v8, v39;
	v26 =	vmul.f32 v26, v34;
	v15 =	vsub.f32 $1.500000000e+00, v15  }
0x183: {  	[tilespmem:v16+s22+$0x0] =	vst.idx.add.f32.msk $0xffff, v44;
	v20 =	vsub.f32 $2.400000020e-02, v61;
	v6 =	vmul.f32 $9.999999770e-03, v6;
	v9 =	vmul.f32 v9, v13  }
0x184: {  	v43 =	vld.idx.msk [tilespmem:v53+s16+$0x0], $0xffff;
	v11 =	vmul.f32 v11, v34;
	v26 =	vadd.f32 $-7.999999820e-02, v26;
	v12 =	vmul.f32 v12, v15  }
0x185: {  	[tilespmem:v17+s22+$0x0] =	vst.idx.add.f32.msk $0xffff, v45;
	v5 =	vadd.f32 $-2.000000030e-01, v5;
	v20 =	vmul.f32 v20, v31;
	v62 =	vmul.f32 v9, v18  }
0x186: {  	vm10 =	vlt.f32 v34, $5.000000000e+00;
	v56 =	vld.idx.msk [tilespmem:v50+s17+$0x0], $0xffff;
	v11 =	vmul.f32 v26, v11;
	v26 =	vmul.f32 v12, v47  }
0x187: {  	v41 =	vmul.f32 v32, v52;
	v6 =	vadd.f32 v6, v35;
	v16 =	vmul.f32 v62, v9  }
0x188: {  	v59 =	vmul.f32 $9.999999770e-03, v34;
	v58 =	vadd.f32 $-7.999999820e-02, v20;
	v13 =	vld.idx.msk [tilespmem:v49+s16+$0x0], $0xffff;
	v18 =	vmul.f32 v26, v12  }
0x189: {  	v44 =	vld.idx.msk [tilespmem:v54+s16+$0x0], $0xffff;
	v8 =	vmul.f32 v41, v8;
	v1 =	vmul.f32 v6, v1;
	v16 =	vsub.f32 $1.500000000e+00, v16  }
0x18a: {  	v35 =	vld.idx.msk [tilespmem:v49+s17+$0x0], $0xffff;
	v45 =	vsub.f32 v41, v39;
	v10 =	vmul.f32 v58, v10;
	v18 =	vsub.f32 $1.500000000e+00, v18  }
0x18b: {  	v46 =	vld.idx.msk [tilespmem:v53+s17+$0x0], $0xffff;
	v19 =	vsub.f32 v32, v8;
	v1 =	vadd.f32 v1, v5;
	v9 =	vmul.f32 v16, v9  }
0x18c: {  	v55 =	vld.idx.msk [tilespmem:v43+s6+$0x0], $0xffff;
	v49 =	vmul.f32 $9.999999770e-03, v39;
	v10 =	vadd.f32 $1.000000000e+00, v10;
	v12 =	vmul.f32 v18, v12  }
0x18d: {  	v50 =	vld.idx.msk [tilespmem:v54+s17+$0x0], $0xffff;
	v11 =	vadd.f32 $1.000000000e+00, v11;
	v57 =	vmul.f32 $9.999999770e-03, v31;
	v47 =	vmul.f32 v9, v31  }
0x18e: {  	v61 =	vld.idx.msk [tilespmem:v56+s6+$0x0], $0xffff;
	v5 =	vadd.f32 v8, v49;
	v16 =	vmul.f32 $9.999999770e-03, v45;
	v51 =	vmul.f32 v12, v34  }
0x18f: {  	[tilespmem:v33+s22+$0x0] =	vst.idx.add.f32.msk $0xffff, v37;
	v10 =	vnsel vm9, $0x0, v10;
	v11 =	vnsel vm10, $0x0, v11;
	v4 =	vmul.f32 v47, v4  }
0x190: {  	v5 =	vadd.f32 $-2.000000030e-01, v5;
	v38 =	vld.idx.msk [tilespmem:v13+s6+$0x0], $0xffff;
	v53 =	vadd.f32 v16, v19;
	v52 =	vmul.f32 v51, v42  }
0x191: {  	v58 =	vld.idx.msk [tilespmem:v44+s6+$0x0], $0xffff;
	v62 =	vmul.f32 $7.199822900e+00, v55;
	v9 =	vmul.f32 v4, v9;
	v4 =	vsub.f32 v4, v31  }
0x192: {  	v54 =	vld.idx.msk [tilespmem:v35+s6+$0x0], $0xffff;
	v7 =	vmul.f32 v53, v7;
	v12 =	vmul.f32 v52, v12;
	v8 =	vsub.f32 v52, v34  }
0x193: {  	[tilespmem:v23+s22+$0x0] =	vst.idx.add.f32.msk $0xffff, v60;
	v15 =	vmul.f32 v61, v63;
	v56 =	vsub.f32 v47, v9;
	v4 =	vmul.f32 $9.999999770e-03, v4  }
0x194: {  	v18 =	vld.idx.msk [tilespmem:v46+s6+$0x0], $0xffff;
	v5 =	vadd.f32 v7, v5;
	v26 =	vsub.f32 v51, v12;
	v8 =	vmul.f32 $9.999999770e-03, v8  }
0x195: {  	v60 =	vld.idx.msk [tilespmem:v50+s6+$0x0], $0xffff;
	v17 =	vmul.f32 $7.199822900e+00, v38;
	v9 =	vadd.f32 v9, v57;
	v4 =	vadd.f32 v4, v56  }
0x196: {  	[tilespmem:v25+s22+$0x0] =	vst.idx.add.f32.msk $0xffff, v2;
	v63 =	vmul.f32 $7.199822900e+00, v58;
	v61 =	vadd.f32 v12, v59;
	v8 =	vadd.f32 v8, v26  }
0x197: {  	[tilespmem:v24+s22+$0x0] =	vst.idx.add.f32.msk $0xffff, v14;
	v16 =	vmul.f32 v54, v17;
	v9 =	vadd.f32 $-2.000000030e-01, v9;
	v4 =	vmul.f32 v4, v10  }
0x198: {  	[tilespmem:v29+s22+$0x0] =	vst.idx.add.f32.msk $0xffff, v40;
	v1 =	vmul.f32 v1, v15;
	v2 =	vadd.f32 $-2.000000030e-01, v61;
	v8 =	vmul.f32 v8, v11  }
0x199: {  	v5 =	vmul.f32 v5, v16;
	v10 =	vmul.f32 v18, v62;
	v4 =	vadd.f32 v4, v9  }
0x19a: {  	p0 =	slt.u32 s29, $0x64;
	[tilespmem:v28+s22+$0x0] =	vst.idx.add.f32.msk $0xffff, v0;
	v0 =	vnsel vm12, $0x0, v1;
	v7 =	vmul.f32 v60, v63;
	v2 =	vadd.f32 v8, v2  }
.Ltmp1:
0x19b: {  	[tilespmem:v3+s22+$0x0] =	vst.idx.add.f32.msk $0xffff, v0;
	v0 =	vnsel vm13, $0x0, v5;
	v1 =	vmul.f32 v4, v10;
	(pc) =	sbr.rel @p0 .LBB2_5-.Ltmp1, $4  }
0x19c: {  	vm14 =	vle.f32 v31, $1.000000000e+01;
	[tilespmem:v13+s22+$0x0] =	vst.idx.add.f32.msk $0xffff, v0;
	v2 =	vmul.f32 v2, v7  }
0x19d: {  	vm15 =	vle.f32 v34, $1.000000000e+01;
	v0 =	vnsel vm14, $0x0, v1;
	v1 =	vld [tilespmem:$0x1FFF0]  }
0x19e: {  	[tilespmem:v43+s22+$0x0] =	vst.idx.add.f32.msk $0xffff, v0;
	v0 =	vnsel vm15, $0x0, v2  }
0x19f: {  	s29 =	sadd.s32 $0x19, s29;
	[tilespmem:v44+s22+$0x0] =	vst.idx.add.f32.msk $0xffff, v0  }
0x1a0: {  	p0 =	seq.s32 s26, $0x18  }
0x1a1: {  	s28 =	sadd.s32 @!p0 s28, s11  }
0x1a2: {  	s28 =	sshrl.u32 @!p0 s28, $0x3  }
0x1a3: {  	s30 =	simm.s32 @!p0 $0x0;
	s31 =	simm.s32 @!p0 $0x18B80;
	s29 =	sadd.s32 @!p0 s2, s28  }
0x1a4: {  	[tilespmem:s31], [sflag:$0x1] =	stream.linear.gather @!p0 [hbm4b:s29+s30], $0x7D0, $0x200038;
	[tilespmem:$0x1BB80] =	vst v63  }
0x1a5: {  	s29 =	sadd.s32 @!p0 s3, s28;
	s31 =	simm.s32 @!p0 $0x19380  }
0x1a6: {  	[tilespmem:s31], [sflag:$0x1] =	stream.linear.gather @!p0 [hbm4b:s29+s30], $0x7D0, $0x200038;
	[tilespmem:$0x1BB80] =	vst v63  }
0x1a7: {  	s28 =	sadd.s32 @!p0 s5, s28;
	s29 =	simm.s32 @!p0 $0x19B80  }
0x1a8: {  	[tilespmem:s29], [sflag:$0x1] =	stream.linear.gather @!p0 [hbm4b:s28+s30], $0x7D0, $0x200038;
	[tilespmem:$0x1BB80] =	vst v63  }
0x1a9: {  	_ =	swait.ge [sflag:s23], $0x7D0  }
0x1aa: {  	[sflag:s23] =	ssyncset.done $0x0  }
0x1ab: {  	[sflag:s23] =	ssyncadd.s32 $0xFFFFF830  }
0x1ac: {  	_ =	swait.ge [sflag:s23], $0x7D0  }
0x1ad: {  	[sflag:s23] =	ssyncset.done $0x0  }
0x1ae: {  	[sflag:s23] =	ssyncadd.s32 $0xFFFFF830  }
0x1af: {  	_ =	swait.ge [sflag:s23], $0x7D0  }
0x1b0: {  	[sflag:s23] =	ssyncset.done $0x0  }
0x1b1: {  	s28 =	simm.s32 $0x0;
	[sflag:s23] =	ssyncadd.s32 $0xFFFFF830  }
.LBB2_7:
0x1b2: {  	v2 =	vld [tilespmem:$0x1FFF0];
	_ =	sdelay $0x2  }
0x1b3: {  	v0 =	vadd.s32 s28, v1  }
0x1b4: {  	s29 =	sadd.s32 $0x1, s28  }
0x1b5: {  	v4 =	vadd.s32 s29, v2;
	_ =	sdelay $0x2  }
0x1b6: {  	v6 =	vld.idx.msk [tilespmem:v0+s18+$0x0], $0xffff;
	_ =	sdelay $0x1  }
0x1b7: {  	v8 =	vld.idx.msk [tilespmem:v4+s18+$0x0], $0xffff;
	_ =	sdelay $0x2  }
0x1b8: {  	v1 =	vmul.f32 v6, v6;
	_ =	sdelay $0x1  }
0x1b9: {  	v11 =	vld [tilespmem:$0x1FFF0];
	v9 =	vmul.f32 v8, v8;
	v3 =	vadd.f32 $1.000000000e+00, v1;
	_ =	sdelay $0x1  }
0x1ba: {  	v33 =	vadd.f32 $1.000000000e+00, v9;
	v2 =	vmul.f32 v3, v1;
	_ =	sdelay $0x1  }
0x1bb: {  	s31 =	sadd.s32 $0x2, s28;
	v19 =	vld [tilespmem:$0x1FFF0];
	v10 =	vmul.f32 v33, v9;
	v5 =	vshrl.u32 v2, $0x1;
	v2 =	vmul.f32 $5.000000000e-01, v2  }
0x1bc: {  	v12 =	vadd.s32 s31, v11;
	v5 =	vsub.s32 $0x5F3759DF, v5  }
0x1bd: {  	v34 =	vshrl.u32 v10, $0x1;
	v10 =	vmul.f32 $5.000000000e-01, v10;
	v7 =	vmul.f32 v5, v2  }
0x1be: {  	v14 =	vsub.s32 $0x5F3759DF, v34  }
0x1bf: {  	s30 =	sadd.s32 $0x3, s28;
	v11 =	vmul.f32 v14, v10;
	v7 =	vmul.f32 v5, v7  }
0x1c0: {  	v19 =	vadd.s32 s30, v19;
	v13 =	vmul.f32 $1.919999950e-03, v6  }
0x1c1: {  	v36 =	vmul.f32 $9.999999770e-03, v6;
	v15 =	vmul.f32 v14, v11;
	v11 =	vld.idx.msk [tilespmem:v12+s18+$0x0], $0xffff;
	v7 =	vsub.f32 $1.500000000e+00, v7  }
0x1c2: {  	vm0 =	vlt.f32 v6, $5.000000000e+00;
	v18 =	vmul.f32 $1.919999950e-03, v8;
	v13 =	vsub.f32 $2.400000020e-02, v13  }
0x1c3: {  	v43 =	vmul.f32 $9.999999770e-03, v8;
	v15 =	vsub.f32 $1.500000000e+00, v15;
	v5 =	vmul.f32 v5, v7  }
0x1c4: {  	v18 =	vsub.f32 $2.400000020e-02, v18;
	v13 =	vmul.f32 v13, v6;
	v1 =	vmul.f32 v1, v6  }
0x1c5: {  	vm7 =	vle.f32 v6, $1.000000000e+01;
	v14 =	vmul.f32 v14, v15;
	v2 =	vmul.f32 v5, v2  }
0x1c6: {  	vm5 =	vlt.f32 v8, $5.000000000e+00;
	v18 =	vmul.f32 v18, v8;
	v35 =	vmul.f32 v11, v11  }
0x1c7: {  	v13 =	vadd.f32 $-7.999999820e-02, v13;
	v10 =	vmul.f32 v14, v10;
	v2 =	vmul.f32 v2, v5  }
0x1c8: {  	v9 =	vmul.f32 v9, v8;
	v18 =	vadd.f32 $-7.999999820e-02, v18;
	v17 =	vadd.f32 $1.000000000e+00, v35  }
0x1c9: {  	v1 =	vmul.f32 v13, v1;
	v10 =	vmul.f32 v10, v14;
	v2 =	vsub.f32 $1.500000000e+00, v2  }
0x1ca: {  	vm9 =	vle.f32 v8, $1.000000000e+01;
	v9 =	vmul.f32 v18, v9;
	v20 =	vmul.f32 v17, v35  }
0x1cb: {  	v1 =	vadd.f32 $1.000000000e+00, v1;
	v10 =	vsub.f32 $1.500000000e+00, v10;
	v5 =	vmul.f32 v2, v5  }
0x1cc: {  	v9 =	vadd.f32 $1.000000000e+00, v9;
	v2 =	vld.idx.msk [tilespmem:v0+s19+$0x0], $0xffff;
	v23 =	vshrl.u32 v20, $0x1;
	v20 =	vmul.f32 $5.000000000e-01, v20  }
0x1cd: {  	v10 =	vmul.f32 v10, v14;
	v23 =	vsub.s32 $0x5F3759DF, v23;
	v14 =	vld.idx.msk [tilespmem:v19+s18+$0x0], $0xffff;
	v16 =	vmul.f32 v5, v6  }
0x1ce: {  	v1 =	vnsel vm0, $0x0, v1;
	v49 =	vmul.f32 $1.919999950e-03, v11;
	v0 =	vld.idx.msk [tilespmem:v0+s20+$0x0], $0xffff;
	v38 =	vmul.f32 v23, v20  }
0x1cf: {  	v9 =	vnsel vm5, $0x0, v9;
	v24 =	vmul.f32 v10, v8;
	v3 =	vmul.f32 v16, v3  }
0x1d0: {  	v46 =	vld [tilespmem:$0x1FFF0];
	vm6 =	vlt.f32 v11, $5.000000000e+00;
	vm11 =	vle.f32 v11, $1.000000000e+01;
	v40 =	vmul.f32 v23, v38  }
0x1d1: {  	v7 =	vmul.f32 v24, v33;
	v5 =	vmul.f32 v3, v5;
	v22 =	vsub.f32 v3, v6;
	v3 =	vld.idx.msk [tilespmem:v4+s19+$0x0], $0xffff  }
0x1d2: {  	v13 =	vmul.f32 v35, v11;
	v4 =	vld.idx.msk [tilespmem:v4+s20+$0x0], $0xffff;
	v41 =	vsub.f32 $1.500000000e+00, v40;
	v18 =	vmul.f32 v14, v14  }
0x1d3: {  	v38 =	vmul.f32 $1.919999950e-03, v14;
	v10 =	vmul.f32 v7, v10;
	v7 =	vsub.f32 v7, v8  }
0x1d4: {  	v15 =	vadd.f32 v5, v36;
	v21 =	vld.idx.msk [tilespmem:v2+s6+$0x0], $0xffff;
	v5 =	vsub.f32 v16, v5;
	v37 =	vmul.f32 $9.999999770e-03, v22  }
0x1d5: {  	vm8 =	vlt.f32 v14, $5.000000000e+00;
	vm14 =	vle.f32 v14, $1.000000000e+01;
	v22 =	vadd.f32 $1.000000000e+00, v18  }
0x1d6: {  	s31 =	sadd.s32 $0x4, s28;
	v0 =	vld.idx.msk [tilespmem:v0+s6+$0x0], $0xffff;
	v44 =	vsub.f32 v24, v10;
	v7 =	vmul.f32 $9.999999770e-03, v7;
	v5 =	vadd.f32 v37, v5  }
0x1d7: {  	v10 =	vadd.f32 v10, v43;
	v24 =	vadd.s32 s31, v46;
	v45 =	vmul.f32 v22, v18  }
0x1d8: {  	v33 =	vld [tilespmem:$0x1FFF0];
	v15 =	vadd.f32 $-2.000000030e-01, v15;
	v1 =	vmul.f32 v5, v1;
	v5 =	vmul.f32 v23, v41  }
0x1d9: {  	v37 =	vmul.f32 $9.999999770e-03, v11;
	v47 =	vadd.f32 v7, v44;
	v39 =	vmul.f32 $7.199822900e+00, v21;
	v42 =	vld.idx.msk [tilespmem:v3+s6+$0x0], $0xffff  }
0x1da: {  	v51 =	vshrl.u32 v45, $0x1;
	v21 =	vmul.f32 $5.000000000e-01, v45;
	v20 =	vmul.f32 v5, v20;
	v25 =	vld.idx.msk [tilespmem:v4+s6+$0x0], $0xffff  }
0x1db: {  	v10 =	vadd.f32 $-2.000000030e-01, v10;
	v26 =	vsub.s32 $0x5F3759DF, v51;
	v4 =	vld.idx.msk [tilespmem:v12+s19+$0x0], $0xffff;
	v0 =	vmul.f32 v0, v39  }
0x1dc: {  	s30 =	sadd.s32 $0x5, s28;
	v1 =	vadd.f32 v1, v15;
	v16 =	vld.idx.msk [tilespmem:v24+s18+$0x0], $0xffff;
	v27 =	vmul.f32 v26, v21;
	v48 =	vmul.f32 v20, v5  }
0x1dd: {  	v23 =	vadd.s32 s30, v33;
	v9 =	vmul.f32 v47, v9;
	v20 =	vsub.f32 $2.400000020e-02, v49  }
0x1de: {  	v54 =	vmul.f32 v26, v27;
	v0 =	vmul.f32 v1, v0;
	v7 =	vsub.f32 $1.500000000e+00, v48  }
0x1df: {  	v9 =	vadd.f32 v9, v10;
	v52 =	vmul.f32 v20, v11;
	v50 =	vmul.f32 $7.199822900e+00, v42  }
0x1e0: {  	v56 =	vsub.f32 $1.500000000e+00, v54;
	v42 =	vmul.f32 v18, v14;
	v5 =	vmul.f32 v7, v5  }
0x1e1: {  	v1 =	vld.idx.msk [tilespmem:v12+s20+$0x0], $0xffff;
	v54 =	vmul.f32 $1.919999950e-03, v16;
	v7 =	vadd.f32 $-7.999999820e-02, v52;
	v52 =	vmul.f32 $9.999999770e-03, v14  }
0x1e2: {  	v6 =	vnsel vm7, $0x0, v0;
	v53 =	vmul.f32 v25, v50;
	v55 =	vmul.f32 v5, v11  }
0x1e3: {  	vm1 =	vlt.f32 v16, $5.000000000e+00;
	v50 =	vld [tilespmem:$0x1FFF0];
	v7 =	vmul.f32 v7, v13;
	v13 =	vmul.f32 v16, v16  }
0x1e4: {  	vm15 =	vle.f32 v16, $1.000000000e+01;
	v61 =	vld.idx.msk [tilespmem:v4+s6+$0x0], $0xffff;
	v10 =	vmul.f32 v9, v53;
	v9 =	vmul.f32 v26, v56  }
0x1e5: {  	v57 =	vmul.f32 v55, v17;
	v59 =	vadd.f32 $1.000000000e+00, v7;
	v63 =	vadd.f32 $1.000000000e+00, v13  }
0x1e6: {  	v62 =	vmul.f32 v9, v21;
	v21 =	vsub.f32 $2.400000020e-02, v38;
	v10 =	vnsel vm9, $0x0, v10  }
0x1e7: {  	v17 =	vld.idx.msk [tilespmem:v23+s18+$0x0], $0xffff;
	v58 =	vmul.f32 v57, v5;
	v60 =	vsub.f32 v57, v11;
	v36 =	vmul.f32 v63, v13  }
0x1e8: {  	s31 =	sadd.s32 $0x6, s28;
	v34 =	vnsel vm6, $0x0, v59;
	v13 =	vmul.f32 v13, v16;
	v35 =	vmul.f32 v62, v9  }
0x1e9: {  	v1 =	vld.idx.msk [tilespmem:v1+s6+$0x0], $0xffff;
	v27 =	vadd.s32 s31, v50;
	v12 =	vmul.f32 $7.199822900e+00, v61;
	v21 =	vmul.f32 v21, v14  }
0x1ea: {  	v32 =	vsub.f32 v55, v58;
	v7 =	vmul.f32 $9.999999770e-03, v60;
	v28 =	vshrl.u32 v36, $0x1  }
0x1eb: {  	v5 =	vld.idx.msk [tilespmem:v19+s19+$0x0], $0xffff;
	v29 =	vmul.f32 $5.000000000e-01, v36;
	v15 =	vadd.f32 v58, v37;
	v39 =	vsub.f32 $1.500000000e+00, v35  }
0x1ec: {  	v19 =	vld.idx.msk [tilespmem:v19+s20+$0x0], $0xffff;
	v28 =	vsub.s32 $0x5F3759DF, v28;
	v43 =	vadd.f32 $-7.999999820e-02, v21;
	v46 =	vmul.f32 v17, v17  }
0x1ed: {  	vm10 =	vlt.f32 v17, $5.000000000e+00;
	v50 =	vmul.f32 $9.999999770e-03, v17;
	vm6 =	vle.f32 v17, $1.000000000e+01  }
0x1ee: {  	v7 =	vadd.f32 v7, v32;
	v40 =	vmul.f32 v28, v29;
	v1 =	vmul.f32 v1, v12  }
0x1ef: {  	v9 =	vmul.f32 v39, v9;
	v18 =	vmul.f32 v43, v42;
	v49 =	vadd.f32 $1.000000000e+00, v46  }
0x1f0: {  	v15 =	vadd.f32 $-2.000000030e-01, v15;
	v7 =	vmul.f32 v7, v34;
	v26 =	vmul.f32 v28, v40  }
0x1f1: {  	v41 =	vmul.f32 v9, v14;
	v48 =	vadd.f32 $1.000000000e+00, v18;
	v53 =	vmul.f32 v49, v46  }
0x1f2: {  	v39 =	vmul.f32 $1.919999950e-03, v17;
	v7 =	vadd.f32 v7, v15;
	v45 =	vsub.f32 $1.500000000e+00, v26  }
0x1f3: {  	v26 =	vmul.f32 v46, v17;
	v44 =	vmul.f32 v41, v22;
	v30 =	vshrl.u32 v53, $0x1  }
0x1f4: {  	v51 =	vld.idx.msk [tilespmem:v19+s6+$0x0], $0xffff;
	v22 =	vsub.f32 $2.400000020e-02, v39;
	v12 =	vmul.f32 v7, v1;
	v0 =	vmul.f32 v28, v45  }
0x1f5: {  	v19 =	vld.idx.msk [tilespmem:v27+s18+$0x0], $0xffff;
	v28 =	vmul.f32 $5.000000000e-01, v53;
	v30 =	vsub.s32 $0x5F3759DF, v30;
	v47 =	vmul.f32 v44, v9  }
0x1f6: {  	v1 =	vld.idx.msk [tilespmem:v5+s6+$0x0], $0xffff;
	v15 =	vsub.f32 v44, v14;
	v9 =	vnsel vm8, $0x0, v48;
	v34 =	vmul.f32 v22, v17  }
0x1f7: {  	v7 =	vld.idx.msk [tilespmem:v24+s19+$0x0], $0xffff;
	v21 =	vmul.f32 v0, v29;
	v29 =	vsub.f32 $2.400000020e-02, v54;
	v32 =	vmul.f32 v30, v28  }
0x1f8: {  	v11 =	vnsel vm11, $0x0, v12;
	v25 =	vsub.f32 v41, v47;
	v15 =	vmul.f32 $9.999999770e-03, v15  }
0x1f9: {  	v37 =	vld [tilespmem:$0x1FFF0];
	v31 =	vadd.f32 v47, v52;
	v41 =	vmul.f32 $9.999999770e-03, v16;
	v21 =	vmul.f32 v21, v0  }
0x1fa: {  	v43 =	vadd.f32 $-7.999999820e-02, v34;
	v55 =	vmul.f32 v29, v16;
	v56 =	vmul.f32 v30, v32  }
0x1fb: {  	v1 =	vmul.f32 $7.199822900e+00, v1;
	v15 =	vadd.f32 v15, v25;
	v57 =	vadd.f32 $-2.000000030e-01, v31  }
0x1fc: {  	v25 =	vmul.f32 v19, v19;
	v26 =	vmul.f32 v43, v26;
	v21 =	vsub.f32 $1.500000000e+00, v21  }
0x1fd: {  	s30 =	sadd.s32 $0x7, s28;
	v24 =	vld.idx.msk [tilespmem:v24+s20+$0x0], $0xffff;
	v43 =	vmul.f32 $9.999999770e-03, v19;
	v60 =	vsub.f32 $1.500000000e+00, v56;
	v9 =	vmul.f32 v15, v9  }
0x1fe: {  	v59 =	vadd.f32 $-7.999999820e-02, v55;
	v0 =	vmul.f32 v21, v0;
	v21 =	vadd.s32 s30, v37  }
0x1ff: {  	v1 =	vmul.f32 v51, v1;
	v62 =	vmul.f32 v30, v60;
	v38 =	vld.idx.msk [tilespmem:v7+s6+$0x0], $0xffff;
	v9 =	vadd.f32 v9, v57  }
0x200: {  	vm12 =	vlt.f32 v19, $5.000000000e+00;
	v61 =	vmul.f32 v59, v13;
	v58 =	vmul.f32 v0, v16  }
0x201: {  	v36 =	vmul.f32 v62, v28;
	v15 =	vmul.f32 v9, v1;
	v1 =	vadd.f32 $1.000000000e+00, v25  }
0x202: {  	v47 =	vadd.f32 $1.000000000e+00, v26;
	v57 =	vmul.f32 $1.919999950e-03, v19;
	v20 =	vmul.f32 v58, v63  }
0x203: {  	v63 =	vadd.f32 $1.000000000e+00, v61;
	v42 =	vmul.f32 v36, v62;
	v40 =	vmul.f32 v1, v25;
	v22 =	vld.idx.msk [tilespmem:v21+s18+$0x0], $0xffff  }
0x204: {  	v28 =	vmul.f32 $7.199822900e+00, v38;
	v0 =	vmul.f32 v20, v0;
	v20 =	vsub.f32 v20, v16  }
0x205: {  	v24 =	vld.idx.msk [tilespmem:v24+s6+$0x0], $0xffff;
	v32 =	vsub.f32 $1.500000000e+00, v42;
	v33 =	vshrl.u32 v40, $0x1;
	v30 =	vmul.f32 $5.000000000e-01, v40  }
0x206: {  	v8 =	vld.idx.msk [tilespmem:v23+s19+$0x0], $0xffff;
	v25 =	vmul.f32 v25, v19;
	v20 =	vmul.f32 $9.999999770e-03, v20;
	v33 =	vsub.s32 $0x5F3759DF, v33  }
0x207: {  	v23 =	vld.idx.msk [tilespmem:v23+s20+$0x0], $0xffff;
	v9 =	vnsel vm1, $0x0, v63;
	v13 =	vmul.f32 v32, v62;
	v35 =	vmul.f32 v33, v30  }
0x208: {  	v52 =	vld [tilespmem:$0x1FFF0];
	v29 =	vsub.f32 v58, v0;
	v0 =	vadd.f32 v0, v41;
	v31 =	vmul.f32 v22, v22  }
0x209: {  	v58 =	vsub.f32 $2.400000020e-02, v57;
	v45 =	vmul.f32 v13, v17;
	v44 =	vmul.f32 v33, v35  }
0x20a: {  	v24 =	vmul.f32 v24, v28;
	v20 =	vadd.f32 v20, v29;
	v32 =	vadd.f32 $1.000000000e+00, v31  }
0x20b: {  	v0 =	vadd.f32 $-2.000000030e-01, v0;
	v18 =	vmul.f32 v45, v49;
	v46 =	vsub.f32 $1.500000000e+00, v44  }
0x20c: {  	s31 =	sadd.s32 $0x8, s28;
	v9 =	vmul.f32 v20, v9;
	v20 =	vnsel vm10, $0x0, v47;
	v51 =	vmul.f32 v32, v31  }
0x20d: {  	v13 =	vmul.f32 v18, v13;
	v48 =	vmul.f32 v33, v46;
	v33 =	vadd.s32 s31, v52  }
0x20e: {  	v49 =	vld.idx.msk [tilespmem:v8+s6+$0x0], $0xffff;
	v18 =	vsub.f32 v18, v17;
	v54 =	vshrl.u32 v51, $0x1;
	v55 =	vmul.f32 $5.000000000e-01, v51  }
0x20f: {  	v31 =	vmul.f32 v31, v22;
	v46 =	vmul.f32 $1.919999950e-03, v22;
	v56 =	vsub.s32 $0x5F3759DF, v54  }
0x210: {  	v53 =	vld.idx.msk [tilespmem:v23+s6+$0x0], $0xffff;
	v29 =	vsub.f32 v45, v13;
	v18 =	vmul.f32 $9.999999770e-03, v18;
	v36 =	vmul.f32 v56, v55  }
0x211: {  	v0 =	vadd.f32 v9, v0;
	v52 =	vmul.f32 $9.999999770e-03, v22;
	v30 =	vmul.f32 v48, v30  }
0x212: {  	v13 =	vadd.f32 v13, v50;
	v18 =	vadd.f32 v18, v29;
	v59 =	vmul.f32 v56, v36;
	v23 =	vld.idx.msk [tilespmem:v33+s18+$0x0], $0xffff  }
0x213: {  	v9 =	vld.idx.msk [tilespmem:v27+s19+$0x0], $0xffff;
	v28 =	vmul.f32 $7.199822900e+00, v49;
	v29 =	vsub.f32 $2.400000020e-02, v46;
	v30 =	vmul.f32 v30, v48  }
0x214: {  	v45 =	vld [tilespmem:$0x1FFF0];
	v13 =	vadd.f32 $-2.000000030e-01, v13;
	v18 =	vmul.f32 v18, v20;
	v61 =	vsub.f32 $1.500000000e+00, v59  }
0x215: {  	v62 =	vld.idx.msk [tilespmem:v27+s20+$0x0], $0xffff;
	v28 =	vmul.f32 v53, v28;
	v38 =	vmul.f32 v29, v22;
	v30 =	vsub.f32 $1.500000000e+00, v30  }
0x216: {  	v13 =	vadd.f32 v18, v13;
	v18 =	vmul.f32 v0, v24;
	v24 =	vmul.f32 v56, v61  }
0x217: {  	vm8 =	vle.f32 v19, $1.000000000e+01;
	v0 =	vmul.f32 v58, v19;
	v63 =	vmul.f32 v23, v23  }
0x218: {  	s30 =	sadd.s32 $0x9, s28;
	v38 =	vadd.f32 $-7.999999820e-02, v38;
	v26 =	vmul.f32 v30, v48;
	v42 =	vmul.f32 v24, v55  }
0x219: {  	v30 =	vadd.s32 s30, v45;
	v20 =	vmul.f32 v13, v28;
	v44 =	vadd.f32 $1.000000000e+00, v63  }
0x21a: {  	vm13 =	vlt.f32 v22, $5.000000000e+00;
	v31 =	vmul.f32 v38, v31;
	v12 =	vmul.f32 v42, v24  }
0x21b: {  	v0 =	vadd.f32 $-7.999999820e-02, v0;
	v60 =	vmul.f32 v26, v19;
	v47 =	vmul.f32 v44, v63  }
0x21c: {  	v48 =	vld.idx.msk [tilespmem:v9+s6+$0x0], $0xffff;
	v56 =	vmul.f32 $1.919999950e-03, v23;
	v45 =	vmul.f32 $9.999999770e-03, v23;
	v12 =	vsub.f32 $1.500000000e+00, v12  }
0x21d: {  	v13 =	vld.idx.msk [tilespmem:v62+s6+$0x0], $0xffff;
	v1 =	vmul.f32 v60, v1;
	v37 =	vshrl.u32 v47, $0x1;
	v34 =	vmul.f32 $5.000000000e-01, v47  }
0x21e: {  	v0 =	vmul.f32 v0, v25;
	v29 =	vld.idx.msk [tilespmem:v30+s18+$0x0], $0xffff;
	v24 =	vmul.f32 v12, v24;
	v37 =	vsub.s32 $0x5F3759DF, v37  }
0x21f: {  	v31 =	vadd.f32 $1.000000000e+00, v31;
	v26 =	vmul.f32 v1, v26;
	v12 =	vld.idx.msk [tilespmem:v21+s19+$0x0], $0xffff;
	v49 =	vmul.f32 v37, v34  }
0x220: {  	v0 =	vadd.f32 $1.000000000e+00, v0;
	v1 =	vsub.f32 v1, v19;
	v39 =	vmul.f32 v24, v22  }
0x221: {  	v36 =	vmul.f32 $7.199822900e+00, v48;
	v25 =	vadd.f32 v26, v43;
	v21 =	vld.idx.msk [tilespmem:v21+s20+$0x0], $0xffff;
	v35 =	vmul.f32 v37, v49  }
0x222: {  	v55 =	vld [tilespmem:$0x1FFF0];
	v26 =	vsub.f32 v60, v26;
	v1 =	vmul.f32 $9.999999770e-03, v1;
	v50 =	vmul.f32 v39, v32  }
0x223: {  	v0 =	vnsel vm12, $0x0, v0;
	v51 =	vsub.f32 $1.500000000e+00, v35;
	v35 =	vmul.f32 v29, v29  }
0x224: {  	v13 =	vmul.f32 v13, v36;
	v1 =	vadd.f32 v1, v26;
	v24 =	vmul.f32 v50, v24  }
0x225: {  	v46 =	vmul.f32 $1.919999950e-03, v29;
	v32 =	vmul.f32 v37, v51;
	v37 =	vadd.f32 $1.000000000e+00, v35  }
0x226: {  	s31 =	sadd.s32 $0xA, s28;
	v0 =	vmul.f32 v1, v0;
	v26 =	vsub.f32 v50, v22;
	v36 =	vadd.f32 v24, v52  }
0x227: {  	v53 =	vld.idx.msk [tilespmem:v12+s6+$0x0], $0xffff;
	v24 =	vsub.f32 v39, v24;
	v39 =	vadd.s32 s31, v55;
	v54 =	vmul.f32 v37, v35  }
0x228: {  	v25 =	vadd.f32 $-2.000000030e-01, v25;
	v26 =	vmul.f32 $9.999999770e-03, v26;
	v34 =	vmul.f32 v32, v34  }
0x229: {  	v1 =	vnsel vm13, $0x0, v31;
	v21 =	vld.idx.msk [tilespmem:v21+s6+$0x0], $0xffff;
	v40 =	vshrl.u32 v54, $0x1;
	v38 =	vmul.f32 $5.000000000e-01, v54  }
0x22a: {  	v24 =	vadd.f32 v26, v24;
	v34 =	vmul.f32 v34, v32;
	v40 =	vsub.s32 $0x5F3759DF, v40  }
0x22b: {  	v0 =	vadd.f32 v0, v25;
	v36 =	vadd.f32 $-2.000000030e-01, v36;
	v41 =	vmul.f32 v40, v38  }
0x22c: {  	v1 =	vmul.f32 v24, v1;
	v34 =	vsub.f32 $1.500000000e+00, v34;
	v31 =	vmul.f32 $7.199822900e+00, v53;
	v25 =	vld.idx.msk [tilespmem:v39+s18+$0x0], $0xffff  }
0x22d: {  	v57 =	vsub.f32 $2.400000020e-02, v56;
	v14 =	vld.idx.msk [tilespmem:v30+s19+$0x0], $0xffff;
	v35 =	vmul.f32 v35, v29;
	v58 =	vmul.f32 v40, v41  }
0x22e: {  	v60 =	vld.idx.msk [tilespmem:v33+s20+$0x0], $0xffff;
	v1 =	vadd.f32 v1, v36;
	v32 =	vmul.f32 v34, v32;
	v31 =	vmul.f32 v21, v31  }
0x22f: {  	v47 =	vld [tilespmem:$0x1FFF0];
	v24 =	vmul.f32 v57, v23;
	v21 =	vmul.f32 v0, v13;
	v59 =	vsub.f32 $1.500000000e+00, v58  }
0x230: {  	v13 =	vld.idx.msk [tilespmem:v33+s19+$0x0], $0xffff;
	v33 =	vsub.f32 $2.400000020e-02, v46;
	v0 =	vmul.f32 v32, v23;
	v26 =	vmul.f32 v1, v31  }
0x231: {  	v15 =	vnsel vm14, $0x0, v15;
	v31 =	vmul.f32 v25, v25;
	v62 =	vmul.f32 v40, v59  }
0x232: {  	v24 =	vadd.f32 $-7.999999820e-02, v24;
	v1 =	vmul.f32 v63, v23;
	v33 =	vmul.f32 v33, v29  }
0x233: {  	s30 =	sadd.s32 $0xB, s28;
	v61 =	vmul.f32 v0, v44;
	v34 =	vadd.f32 $1.000000000e+00, v31;
	v44 =	vmul.f32 v62, v38  }
0x234: {  	v36 =	vadd.s32 s30, v47;
	v58 =	vmul.f32 $9.999999770e-03, v29;
	v1 =	vmul.f32 v24, v1  }
0x235: {  	vm4 =	vlt.f32 v23, $5.000000000e+00;
	v48 =	vmul.f32 v34, v31;
	v24 =	vmul.f32 v44, v62  }
0x236: {  	v33 =	vadd.f32 $-7.999999820e-02, v33;
	v63 =	vmul.f32 v61, v32;
	v50 =	vsub.f32 v61, v23  }
0x237: {  	v30 =	vld.idx.msk [tilespmem:v30+s20+$0x0], $0xffff;
	v42 =	vshrl.u32 v48, $0x1;
	v38 =	vmul.f32 $5.000000000e-01, v48;
	v24 =	vsub.f32 $1.500000000e+00, v24  }
0x238: {  	v57 =	vld.idx.msk [tilespmem:v14+s6+$0x0], $0xffff;
	v1 =	vadd.f32 $1.000000000e+00, v1;
	v51 =	vmul.f32 $9.999999770e-03, v50;
	v42 =	vsub.s32 $0x5F3759DF, v42  }
0x239: {  	v0 =	vsub.f32 v0, v63;
	v52 =	vmul.f32 v42, v38;
	v28 =	vmul.f32 v24, v62;
	v24 =	vld.idx.msk [tilespmem:v36+s18+$0x0], $0xffff  }
0x23a: {  	v33 =	vmul.f32 v33, v35;
	v31 =	vmul.f32 v31, v25;
	v32 =	vadd.f32 v63, v45  }
0x23b: {  	v49 =	vld.idx.msk [tilespmem:v13+s6+$0x0], $0xffff;
	v0 =	vadd.f32 v51, v0;
	v54 =	vmul.f32 v42, v52;
	v43 =	vmul.f32 v28, v29  }
0x23c: {  	v1 =	vnsel vm4, $0x0, v1;
	v56 =	vadd.f32 $1.000000000e+00, v33;
	v45 =	vmul.f32 $1.919999950e-03, v25  }
0x23d: {  	v61 =	vld [tilespmem:$0x1FFF0];
	v0 =	vmul.f32 v0, v1;
	v1 =	vsub.f32 $1.500000000e+00, v54;
	v37 =	vmul.f32 v43, v37  }
0x23e: {  	v33 =	vmul.f32 $7.199822900e+00, v57;
	v32 =	vadd.f32 $-2.000000030e-01, v32;
	v35 =	vmul.f32 v24, v24  }
0x23f: {  	vm11 =	vle.f32 v22, $1.000000000e+01;
	v44 =	vld.idx.msk [tilespmem:v30+s6+$0x0], $0xffff;
	v1 =	vmul.f32 v42, v1;
	v55 =	vmul.f32 v37, v28  }
0x240: {  	v53 =	vmul.f32 $7.199822900e+00, v49;
	v0 =	vadd.f32 v0, v32;
	v37 =	vsub.f32 v37, v29  }
0x241: {  	v27 =	vld.idx.msk [tilespmem:v60+s6+$0x0], $0xffff;
	s31 =	sadd.s32 $0xC, s28;
	v41 =	vadd.f32 $1.000000000e+00, v35;
	v38 =	vmul.f32 v1, v38;
	v59 =	vsub.f32 v43, v55  }
0x242: {  	v37 =	vmul.f32 $9.999999770e-03, v37;
	v16 =	vadd.f32 v55, v58;
	v43 =	vadd.s32 s31, v61  }
0x243: {  	v60 =	vmul.f32 v41, v35;
	v63 =	vmul.f32 v38, v1;
	v38 =	vsub.f32 $2.400000020e-02, v45  }
0x244: {  	v33 =	vmul.f32 v44, v33;
	v62 =	vadd.f32 v37, v59;
	v45 =	vadd.f32 $-2.000000030e-01, v16  }
0x245: {  	v16 =	vld.idx.msk [tilespmem:v39+s19+$0x0], $0xffff;
	v46 =	vshrl.u32 v60, $0x1;
	v40 =	vmul.f32 $5.000000000e-01, v60;
	v37 =	vsub.f32 $1.500000000e+00, v63  }
0x246: {  	v27 =	vmul.f32 v27, v53;
	v47 =	vmul.f32 v38, v25;
	v42 =	vsub.s32 $0x5F3759DF, v46  }
0x247: {  	vm5 =	vlt.f32 v29, $5.000000000e+00;
	v46 =	vmul.f32 v42, v40;
	v1 =	vmul.f32 v37, v1;
	v30 =	vld.idx.msk [tilespmem:v43+s18+$0x0], $0xffff  }
0x248: {  	v27 =	vmul.f32 v0, v27;
	v61 =	vmul.f32 $1.919999950e-03, v24;
	v32 =	vadd.f32 $-7.999999820e-02, v47  }
0x249: {  	v0 =	vld.idx.msk [tilespmem:v39+s20+$0x0], $0xffff;
	v28 =	vnsel vm5, $0x0, v56;
	v48 =	vmul.f32 v42, v46;
	v49 =	vmul.f32 v1, v25  }
0x24a: {  	vm7 =	vlt.f32 v25, $5.000000000e+00;
	v28 =	vmul.f32 v62, v28;
	v31 =	vmul.f32 v32, v31  }
0x24b: {  	v56 =	vld [tilespmem:$0x1FFF0];
	v60 =	vmul.f32 $9.999999770e-03, v25;
	v50 =	vsub.f32 $1.500000000e+00, v48;
	v34 =	vmul.f32 v49, v34  }
0x24c: {  	v28 =	vadd.f32 v28, v45;
	v52 =	vadd.f32 $1.000000000e+00, v31;
	v32 =	vmul.f32 v30, v30  }
0x24d: {  	v54 =	vld.idx.msk [tilespmem:v16+s6+$0x0], $0xffff;
	v51 =	vmul.f32 v42, v50;
	v1 =	vmul.f32 v34, v1;
	v53 =	vsub.f32 v34, v25  }
0x24e: {  	v33 =	vmul.f32 v28, v33;
	v57 =	vnsel vm7, $0x0, v52;
	v39 =	vadd.f32 $1.000000000e+00, v32  }
0x24f: {  	s30 =	sadd.s32 $0xD, s28;
	v55 =	vmul.f32 v51, v40;
	v38 =	vsub.f32 v49, v1;
	v31 =	vmul.f32 $9.999999770e-03, v53  }
0x250: {  	v40 =	vadd.s32 s30, v56;
	v1 =	vadd.f32 v1, v60;
	v59 =	vmul.f32 v39, v32  }
0x251: {  	v0 =	vld.idx.msk [tilespmem:v0+s6+$0x0], $0xffff;
	v32 =	vmul.f32 v32, v30;
	v58 =	vmul.f32 v55, v51;
	v31 =	vadd.f32 v31, v38  }
0x252: {  	v34 =	vmul.f32 $7.199822900e+00, v54;
	v38 =	vsub.f32 $2.400000020e-02, v61;
	v62 =	vshrl.u32 v59, $0x1  }
0x253: {  	v37 =	vmul.f32 $5.000000000e-01, v59;
	v59 =	vmul.f32 $1.919999950e-03, v30;
	v28 =	vsub.f32 $1.500000000e+00, v58  }
0x254: {  	v45 =	vsub.s32 $0x5F3759DF, v62;
	v31 =	vmul.f32 v31, v57;
	v38 =	vmul.f32 v38, v24;
	v58 =	vld [tilespmem:$0x1FFF0]  }
0x255: {  	v1 =	vadd.f32 $-2.000000030e-01, v1;
	v48 =	vmul.f32 v45, v37;
	v63 =	vmul.f32 v28, v51;
	v28 =	vld.idx.msk [tilespmem:v40+s18+$0x0], $0xffff  }
0x256: {  	v18 =	vnsel vm15, $0x0, v18;
	v17 =	vld.idx.msk [tilespmem:v36+s19+$0x0], $0xffff;
	v0 =	vmul.f32 v0, v34;
	v51 =	vmul.f32 v35, v24  }
0x257: {  	v52 =	vadd.f32 $-7.999999820e-02, v38;
	v1 =	vadd.f32 v31, v1;
	v50 =	vmul.f32 v45, v48  }
0x258: {  	vm9 =	vlt.f32 v24, $5.000000000e+00;
	v57 =	vmul.f32 $9.999999770e-03, v24;
	v49 =	vmul.f32 v63, v24  }
0x259: {  	s31 =	sadd.s32 $0xE, s28;
	v53 =	vld.idx.msk [tilespmem:v36+s20+$0x0], $0xffff;
	v56 =	vmul.f32 v52, v51;
	v36 =	vmul.f32 v1, v0;
	v55 =	vsub.f32 $1.500000000e+00, v50  }
0x25a: {  	v44 =	vadd.s32 s31, v58;
	v54 =	vmul.f32 v49, v41;
	v35 =	vmul.f32 v28, v28  }
0x25b: {  	v19 =	vadd.f32 $1.000000000e+00, v56;
	v0 =	vmul.f32 v45, v55;
	v45 =	vsub.f32 $2.400000020e-02, v59  }
0x25c: {  	v1 =	vmul.f32 v54, v63;
	v38 =	vsub.f32 v54, v24;
	v41 =	vadd.f32 $1.000000000e+00, v35  }
0x25d: {  	v50 =	vnsel vm9, $0x0, v19;
	v37 =	vmul.f32 v0, v37;
	v45 =	vmul.f32 v45, v30  }
0x25e: {  	v47 =	vld.idx.msk [tilespmem:v17+s6+$0x0], $0xffff;
	v42 =	vsub.f32 v49, v1;
	v38 =	vmul.f32 $9.999999770e-03, v38;
	v60 =	vmul.f32 v41, v35  }
0x25f: {  	v19 =	vld.idx.msk [tilespmem:v43+s19+$0x0], $0xffff;
	v37 =	vmul.f32 v37, v0;
	v62 =	vadd.f32 $-7.999999820e-02, v45;
	v35 =	vmul.f32 v35, v28  }
0x260: {  	v31 =	vld.idx.msk [tilespmem:v44+s18+$0x0], $0xffff;
	v61 =	vadd.f32 v38, v42;
	v48 =	vshrl.u32 v60, $0x1;
	v46 =	vmul.f32 $5.000000000e-01, v60  }
0x261: {  	v49 =	vld.idx.msk [tilespmem:v53+s6+$0x0], $0xffff;
	v37 =	vsub.f32 $1.500000000e+00, v37;
	v32 =	vmul.f32 v62, v32;
	v48 =	vsub.s32 $0x5F3759DF, v48  }
0x262: {  	v43 =	vld.idx.msk [tilespmem:v43+s20+$0x0], $0xffff;
	v1 =	vadd.f32 v1, v57;
	v60 =	vmul.f32 $9.999999770e-03, v30;
	v51 =	vmul.f32 v48, v46  }
0x263: {  	v20 =	vnsel vm6, $0x0, v20;
	v34 =	vmul.f32 v61, v50;
	v0 =	vmul.f32 v37, v0  }
0x264: {  	v59 =	vld [tilespmem:$0x1FFF0];
	v1 =	vadd.f32 $-2.000000030e-01, v1;
	v63 =	vmul.f32 v48, v51;
	v51 =	vmul.f32 $7.199822900e+00, v47  }
0x265: {  	vm12 =	vle.f32 v23, $1.000000000e+01;
	v42 =	vmul.f32 v31, v31;
	v52 =	vmul.f32 v0, v30  }
0x266: {  	v1 =	vadd.f32 v34, v1;
	v53 =	vsub.f32 $1.500000000e+00, v63;
	v54 =	vmul.f32 v49, v51  }
0x267: {  	vm10 =	vlt.f32 v30, $5.000000000e+00;
	v62 =	vmul.f32 $1.919999950e-03, v28;
	v55 =	vmul.f32 v52, v39  }
0x268: {  	s30 =	sadd.s32 $0xF, s28;
	v57 =	vld.idx.msk [tilespmem:v19+s6+$0x0], $0xffff;
	v37 =	vmul.f32 v48, v53;
	v39 =	vmul.f32 v1, v54;
	v1 =	vadd.f32 $1.000000000e+00, v42  }
0x269: {  	v22 =	vld.idx.msk [tilespmem:v40+s19+$0x0], $0xffff;
	v0 =	vmul.f32 v55, v0;
	v34 =	vsub.f32 v55, v30;
	v48 =	vadd.s32 s30, v59  }
0x26a: {  	v32 =	vadd.f32 $1.000000000e+00, v32;
	v43 =	vld.idx.msk [tilespmem:v43+s6+$0x0], $0xffff;
	v56 =	vmul.f32 v37, v46;
	v58 =	vmul.f32 v1, v42  }
0x26b: {  	v59 =	vmul.f32 $9.999999770e-03, v28;
	v45 =	vsub.f32 v52, v0;
	v34 =	vmul.f32 $9.999999770e-03, v34  }
0x26c: {  	v38 =	vmul.f32 v56, v37;
	v61 =	vshrl.u32 v58, $0x1;
	v47 =	vmul.f32 $5.000000000e-01, v58  }
0x26d: {  	v54 =	vld.idx.msk [tilespmem:v40+s20+$0x0], $0xffff;
	v0 =	vadd.f32 v0, v60;
	v46 =	vmul.f32 $7.199822900e+00, v57;
	v50 =	vsub.s32 $0x5F3759DF, v61  }
0x26e: {  	v45 =	vadd.f32 v34, v45;
	v34 =	vld.idx.msk [tilespmem:v48+s18+$0x0], $0xffff;
	v38 =	vsub.f32 $1.500000000e+00, v38;
	v63 =	vmul.f32 v50, v47  }
0x26f: {  	v52 =	vsub.f32 $2.400000020e-02, v62;
	v42 =	vmul.f32 v42, v31;
	v43 =	vmul.f32 v43, v46  }
0x270: {  	v32 =	vnsel vm10, $0x0, v32;
	v60 =	vld [tilespmem:$0x1FFF0];
	v37 =	vmul.f32 v38, v37;
	v53 =	vmul.f32 v50, v63  }
0x271: {  	v62 =	vld.idx.msk [tilespmem:v22+s6+$0x0], $0xffff;
	v0 =	vadd.f32 $-2.000000030e-01, v0;
	v32 =	vmul.f32 v45, v32;
	v38 =	vmul.f32 v52, v28  }
0x272: {  	v63 =	vmul.f32 $1.919999950e-03, v31;
	v49 =	vmul.f32 v37, v28;
	v55 =	vsub.f32 $1.500000000e+00, v53  }
0x273: {  	v0 =	vadd.f32 v32, v0;
	v38 =	vadd.f32 $-7.999999820e-02, v38;
	v46 =	vmul.f32 v34, v34  }
0x274: {  	v51 =	vsub.f32 $2.400000020e-02, v63;
	v56 =	vmul.f32 v49, v41;
	v40 =	vmul.f32 v50, v55  }
0x275: {  	s31 =	sadd.s32 $0x10, s28;
	v41 =	vmul.f32 v0, v43;
	v0 =	vmul.f32 v38, v35;
	v38 =	vadd.f32 $1.000000000e+00, v46  }
0x276: {  	v52 =	vld.idx.msk [tilespmem:v54+s6+$0x0], $0xffff;
	v43 =	vadd.s32 s31, v60;
	v51 =	vmul.f32 v51, v31;
	v50 =	vmul.f32 $7.199822900e+00, v62  }
0x277: {  	vm15 =	vle.f32 v29, $1.000000000e+01;
	v60 =	vmul.f32 $9.999999770e-03, v31;
	v58 =	vmul.f32 v40, v47  }
0x278: {  	vm13 =	vlt.f32 v28, $5.000000000e+00;
	v55 =	vmul.f32 $1.919999950e-03, v34;
	v61 =	vmul.f32 v38, v46  }
0x279: {  	vm14 =	vlt.f32 v31, $5.000000000e+00;
	v57 =	vmul.f32 v56, v37;
	v23 =	vmul.f32 v58, v40  }
0x27a: {  	v45 =	vsub.f32 v56, v28;
	v53 =	vshrl.u32 v61, $0x1;
	v47 =	vmul.f32 $5.000000000e-01, v61  }
0x27b: {  	v50 =	vmul.f32 v52, v50;
	v53 =	vsub.s32 $0x5F3759DF, v53;
	v35 =	vld.idx.msk [tilespmem:v43+s18+$0x0], $0xffff;
	v56 =	vsub.f32 $1.500000000e+00, v23  }
0x27c: {  	v37 =	vadd.f32 v57, v59;
	v49 =	vsub.f32 v49, v57;
	v23 =	vld.idx.msk [tilespmem:v44+s19+$0x0], $0xffff;
	v57 =	vmul.f32 v53, v47  }
0x27d: {  	v0 =	vadd.f32 $1.000000000e+00, v0;
	v45 =	vmul.f32 $9.999999770e-03, v45;
	v59 =	vld [tilespmem:$0x1FFF0];
	v40 =	vmul.f32 v56, v40  }
0x27e: {  	v51 =	vadd.f32 $-7.999999820e-02, v51;
	v46 =	vmul.f32 v46, v34;
	v44 =	vld.idx.msk [tilespmem:v44+s20+$0x0], $0xffff;
	v32 =	vmul.f32 v53, v57  }
0x27f: {  	v0 =	vnsel vm13, $0x0, v0;
	v45 =	vadd.f32 v45, v49;
	v58 =	vmul.f32 v40, v31  }
0x280: {  	v62 =	vmul.f32 v51, v42;
	v61 =	vsub.f32 $1.500000000e+00, v32;
	v42 =	vmul.f32 v35, v35  }
0x281: {  	s30 =	sadd.s32 $0x11, s28;
	v37 =	vadd.f32 $-2.000000030e-01, v37;
	v0 =	vmul.f32 v45, v0;
	v1 =	vmul.f32 v58, v1  }
0x282: {  	v52 =	vadd.s32 s30, v59;
	v45 =	vmul.f32 v53, v61;
	v51 =	vadd.f32 $1.000000000e+00, v42  }
0x283: {  	v32 =	vnsel vm12, $0x0, v27;
	v40 =	vmul.f32 v1, v40;
	v1 =	vsub.f32 v1, v31  }
0x284: {  	v0 =	vadd.f32 v0, v37;
	v63 =	vld.idx.msk [tilespmem:v23+s6+$0x0], $0xffff;
	v47 =	vmul.f32 v45, v47;
	v54 =	vmul.f32 v51, v42  }
0x285: {  	v27 =	vadd.f32 $1.000000000e+00, v62;
	v49 =	vsub.f32 v58, v40;
	v1 =	vmul.f32 $9.999999770e-03, v1  }
0x286: {  	v44 =	vld.idx.msk [tilespmem:v44+s6+$0x0], $0xffff;
	v47 =	vmul.f32 v47, v45;
	v56 =	vshrl.u32 v54, $0x1;
	v54 =	vmul.f32 $5.000000000e-01, v54  }
0x287: {  	v61 =	vsub.f32 $2.400000020e-02, v55;
	v27 =	vnsel vm14, $0x0, v27;
	v37 =	vld.idx.msk [tilespmem:v52+s18+$0x0], $0xffff;
	v56 =	vsub.s32 $0x5F3759DF, v56  }
0x288: {  	v47 =	vsub.f32 $1.500000000e+00, v47;
	v62 =	vmul.f32 v56, v54;
	v1 =	vadd.f32 v1, v49  }
0x289: {  	v40 =	vadd.f32 v40, v60;
	v57 =	vmul.f32 $7.199822900e+00, v63;
	v63 =	vmul.f32 v61, v34  }
0x28a: {  	vm6 =	vle.f32 v25, $1.000000000e+01;
	v45 =	vmul.f32 v47, v45;
	v1 =	vmul.f32 v1, v27  }
0x28b: {  	v40 =	vadd.f32 $-2.000000030e-01, v40;
	v27 =	vld.idx.msk [tilespmem:v48+s19+$0x0], $0xffff;
	v44 =	vmul.f32 v44, v57;
	v57 =	vmul.f32 v56, v62  }
0x28c: {  	v55 =	vmul.f32 v37, v37;
	v61 =	vmul.f32 $1.919999950e-03, v35;
	v47 =	vadd.f32 $-7.999999820e-02, v63;
	v63 =	vld [tilespmem:$0x1FFF0]  }
0x28d: {  	v48 =	vld.idx.msk [tilespmem:v48+s20+$0x0], $0xffff;
	v53 =	vmul.f32 v45, v34;
	v1 =	vadd.f32 v1, v40;
	v49 =	vsub.f32 $1.500000000e+00, v57  }
0x28e: {  	v58 =	vmul.f32 v47, v46;
	v46 =	vmul.f32 v0, v50;
	v0 =	vadd.f32 $1.000000000e+00, v55  }
0x28f: {  	v50 =	vsub.f32 $2.400000020e-02, v61;
	v38 =	vmul.f32 v53, v38;
	v40 =	vmul.f32 v1, v44  }
0x290: {  	vm4 =	vlt.f32 v34, $5.000000000e+00;
	s31 =	sadd.s32 $0x12, s28;
	v47 =	vmul.f32 v56, v49;
	v60 =	vmul.f32 v0, v55  }
0x291: {  	v50 =	vmul.f32 v50, v35;
	v1 =	vmul.f32 v38, v45;
	v56 =	vadd.s32 s31, v63  }
0x292: {  	v59 =	vmul.f32 v47, v54;
	v62 =	vshrl.u32 v60, $0x1;
	v49 =	vmul.f32 $5.000000000e-01, v60  }
0x293: {  	v45 =	vmul.f32 $9.999999770e-03, v34;
	v38 =	vsub.f32 v38, v34;
	v60 =	vld.idx.msk [tilespmem:v27+s6+$0x0], $0xffff;
	v54 =	vsub.s32 $0x5F3759DF, v62  }
0x294: {  	v44 =	vadd.f32 $1.000000000e+00, v58;
	v29 =	vmul.f32 v59, v47;
	v59 =	vmul.f32 v54, v49  }
0x295: {  	v63 =	vmul.f32 v42, v35;
	v53 =	vsub.f32 v53, v1;
	v38 =	vmul.f32 $9.999999770e-03, v38;
	v48 =	vld.idx.msk [tilespmem:v48+s6+$0x0], $0xffff  }
0x296: {  	v50 =	vadd.f32 $-7.999999820e-02, v50;
	v58 =	vsub.f32 $1.500000000e+00, v29;
	v29 =	vld.idx.msk [tilespmem:v43+s19+$0x0], $0xffff;
	v61 =	vmul.f32 v54, v59  }
0x297: {  	v44 =	vnsel vm4, $0x0, v44;
	v1 =	vadd.f32 v1, v45;
	v38 =	vadd.f32 v38, v53;
	v42 =	vld.idx.msk [tilespmem:v56+s18+$0x0], $0xffff  }
0x298: {  	v47 =	vmul.f32 v58, v47;
	v57 =	vmul.f32 $7.199822900e+00, v60;
	v45 =	vsub.f32 $1.500000000e+00, v61;
	v60 =	vld [tilespmem:$0x1FFF0]  }
0x299: {  	v50 =	vmul.f32 v50, v63;
	v1 =	vadd.f32 $-2.000000030e-01, v1;
	v43 =	vld.idx.msk [tilespmem:v43+s20+$0x0], $0xffff;
	v44 =	vmul.f32 v38, v44  }
0x29a: {  	v38 =	vnsel vm15, $0x0, v33;
	v62 =	vmul.f32 v47, v35;
	v33 =	vmul.f32 v54, v45  }
0x29b: {  	vm5 =	vlt.f32 v35, $5.000000000e+00;
	v59 =	vadd.f32 $1.000000000e+00, v50;
	v48 =	vmul.f32 v48, v57  }
0x29c: {  	s30 =	sadd.s32 $0x13, s28;
	v1 =	vadd.f32 v44, v1;
	v51 =	vmul.f32 v62, v51;
	v49 =	vmul.f32 v33, v49  }
0x29d: {  	v45 =	vnsel vm5, $0x0, v59;
	v50 =	vmul.f32 v42, v42;
	v54 =	vadd.s32 s30, v60  }
0x29e: {  	v44 =	vmul.f32 v51, v47;
	v47 =	vld.idx.msk [tilespmem:v29+s6+$0x0], $0xffff;
	v51 =	vsub.f32 v51, v35;
	v49 =	vmul.f32 v49, v33  }
0x29f: {  	v57 =	vmul.f32 $9.999999770e-03, v35;
	v59 =	vmul.f32 $1.919999950e-03, v37;
	v58 =	vadd.f32 $1.000000000e+00, v50  }
0x2a0: {  	v53 =	vsub.f32 v62, v44;
	v51 =	vmul.f32 $9.999999770e-03, v51;
	v61 =	vsub.f32 $1.500000000e+00, v49  }
0x2a1: {  	v55 =	vmul.f32 v55, v37;
	v63 =	vsub.f32 $2.400000020e-02, v59;
	v60 =	vld.idx.msk [tilespmem:v43+s6+$0x0], $0xffff;
	v62 =	vmul.f32 v58, v50  }
0x2a2: {  	v44 =	vadd.f32 v44, v57;
	v51 =	vadd.f32 v51, v53;
	v57 =	vmul.f32 v61, v33  }
0x2a3: {  	v61 =	vshrl.u32 v62, $0x1;
	v49 =	vmul.f32 $5.000000000e-01, v62;
	v43 =	vld.idx.msk [tilespmem:v54+s18+$0x0], $0xffff;
	v47 =	vmul.f32 $7.199822900e+00, v47  }
0x2a4: {  	v53 =	vsub.s32 $0x5F3759DF, v61;
	v45 =	vmul.f32 v51, v45;
	v51 =	vmul.f32 v63, v37  }
0x2a5: {  	v33 =	vld.idx.msk [tilespmem:v52+s19+$0x0], $0xffff;
	v44 =	vadd.f32 $-2.000000030e-01, v44;
	v59 =	vmul.f32 v57, v37;
	v61 =	vmul.f32 v53, v49  }
0x2a6: {  	v48 =	vmul.f32 v1, v48;
	v47 =	vmul.f32 v60, v47;
	v51 =	vadd.f32 $-7.999999820e-02, v51  }
0x2a7: {  	v44 =	vadd.f32 v45, v44;
	v45 =	vld.idx.msk [tilespmem:v52+s20+$0x0], $0xffff;
	v0 =	vmul.f32 v59, v0;
	v62 =	vmul.f32 v53, v61  }
0x2a8: {  	vm7 =	vlt.f32 v37, $5.000000000e+00;
	v61 =	vld [tilespmem:$0x1FFF0];
	v63 =	vmul.f32 v51, v55;
	v55 =	vmul.f32 v43, v43  }
0x2a9: {  	v47 =	vmul.f32 v44, v47;
	v1 =	vsub.f32 $1.500000000e+00, v62;
	v44 =	vmul.f32 v0, v57  }
0x2aa: {  	v0 =	vsub.f32 v0, v37;
	v62 =	vmul.f32 $1.919999950e-03, v42;
	v52 =	vadd.f32 $1.000000000e+00, v55  }
0x2ab: {  	v25 =	vadd.f32 $1.000000000e+00, v63;
	v1 =	vmul.f32 v53, v1;
	v59 =	vsub.f32 v59, v44  }
0x2ac: {  	s31 =	sadd.s32 $0x14, s28;
	v0 =	vmul.f32 $9.999999770e-03, v0;
	v62 =	vsub.f32 $2.400000020e-02, v62;
	v57 =	vmul.f32 v52, v55  }
0x2ad: {  	v51 =	vld.idx.msk [tilespmem:v33+s6+$0x0], $0xffff;
	v61 =	vadd.s32 s31, v61;
	v53 =	vnsel vm7, $0x0, v25;
	v49 =	vmul.f32 v1, v49  }
0x2ae: {  	v25 =	vmul.f32 $9.999999770e-03, v37;
	v60 =	vshrl.u32 v57, $0x1;
	v57 =	vmul.f32 $5.000000000e-01, v57  }
0x2af: {  	v0 =	vadd.f32 v0, v59;
	v49 =	vmul.f32 v49, v1;
	v60 =	vsub.s32 $0x5F3759DF, v60  }
0x2b0: {  	v62 =	vmul.f32 v62, v42;
	v45 =	vld.idx.msk [tilespmem:v45+s6+$0x0], $0xffff;
	v59 =	vmul.f32 v60, v57  }
0x2b1: {  	v44 =	vadd.f32 v44, v25;
	v25 =	vld.idx.msk [tilespmem:v56+s19+$0x0], $0xffff;
	v0 =	vmul.f32 v0, v53;
	v49 =	vsub.f32 $1.500000000e+00, v49  }
0x2b2: {  	v21 =	vnsel vm8, $0x0, v21;
	v51 =	vmul.f32 $7.199822900e+00, v51;
	v59 =	vmul.f32 v60, v59  }
0x2b3: {  	v63 =	vadd.f32 $-2.000000030e-01, v44;
	v44 =	vnsel vm6, $0x0, v36;
	v36 =	vld.idx.msk [tilespmem:v61+s18+$0x0], $0xffff;
	v1 =	vmul.f32 v49, v1  }
0x2b4: {  	v50 =	vmul.f32 v50, v42;
	v49 =	vadd.f32 $-7.999999820e-02, v62;
	v53 =	vsub.f32 $1.500000000e+00, v59  }
0x2b5: {  	v0 =	vadd.f32 v0, v63;
	v45 =	vmul.f32 v45, v51;
	v59 =	vmul.f32 v1, v42  }
0x2b6: {  	vm8 =	vle.f32 v24, $1.000000000e+01;
	v62 =	vmul.f32 v49, v50;
	v53 =	vmul.f32 v60, v53  }
0x2b7: {  	vm9 =	vle.f32 v30, $1.000000000e+01;
	v51 =	vmul.f32 v0, v45;
	v0 =	vld.idx.msk [tilespmem:v56+s20+$0x0], $0xffff;
	v60 =	vmul.f32 v59, v58  }
0x2b8: {  	v45 =	vnsel vm8, $0x0, v39;
	v56 =	vmul.f32 v36, v36;
	v63 =	vmul.f32 v53, v57  }
0x2b9: {  	v30 =	vld.idx.msk [tilespmem:v25+s6+$0x0], $0xffff;
	v39 =	vadd.f32 $1.000000000e+00, v62;
	v1 =	vmul.f32 v60, v1;
	v24 =	vsub.f32 v60, v42  }
0x2ba: {  	v62 =	vmul.f32 $1.919999950e-03, v43;
	v57 =	vadd.f32 $1.000000000e+00, v56;
	v49 =	vmul.f32 v63, v53;
	v63 =	vld [tilespmem:$0x1FFF0]  }
0x2bb: {  	v58 =	vmul.f32 $9.999999770e-03, v42;
	v60 =	vsub.f32 v59, v1;
	v24 =	vmul.f32 $9.999999770e-03, v24  }
0x2bc: {  	v62 =	vsub.f32 $2.400000020e-02, v62;
	v59 =	vmul.f32 v57, v56;
	v49 =	vsub.f32 $1.500000000e+00, v49  }
0x2bd: {  	vm10 =	vlt.f32 v42, $5.000000000e+00;
	v1 =	vadd.f32 v1, v58;
	v60 =	vadd.f32 v24, v60;
	v24 =	vld.idx.msk [tilespmem:v54+s19+$0x0], $0xffff  }
0x2be: {  	s30 =	sadd.s32 $0x15, s28;
	v54 =	vld.idx.msk [tilespmem:v54+s20+$0x0], $0xffff;
	v49 =	vmul.f32 v49, v53;
	v53 =	vshrl.u32 v59, $0x1;
	v59 =	vmul.f32 $5.000000000e-01, v59  }
0x2bf: {  	v30 =	vmul.f32 $7.199822900e+00, v30;
	v0 =	vld.idx.msk [tilespmem:v0+s6+$0x0], $0xffff;
	v53 =	vsub.s32 $0x5F3759DF, v53;
	v50 =	vadd.s32 s30, v63  }
0x2c0: {  	v39 =	vnsel vm10, $0x0, v39;
	v58 =	vmul.f32 v49, v43;
	v63 =	vmul.f32 v53, v59  }
0x2c1: {  	v1 =	vadd.f32 $-2.000000030e-01, v1;
	v39 =	vmul.f32 v60, v39;
	v60 =	vmul.f32 v62, v43  }
0x2c2: {  	v26 =	vnsel vm11, $0x0, v26;
	v52 =	vmul.f32 v58, v52;
	v62 =	vmul.f32 v53, v63  }
0x2c3: {  	v55 =	vmul.f32 v55, v43;
	v60 =	vadd.f32 $-7.999999820e-02, v60;
	v1 =	vadd.f32 v39, v1  }
0x2c4: {  	v0 =	vmul.f32 v0, v30;
	v39 =	vmul.f32 v52, v49;
	v49 =	vsub.f32 $1.500000000e+00, v62;
	v30 =	vld.idx.msk [tilespmem:v50+s18+$0x0], $0xffff  }
0x2c5: {  	vm11 =	vle.f32 v28, $1.000000000e+01;
	v63 =	vmul.f32 v60, v55;
	v60 =	vmul.f32 $9.999999770e-03, v43;
	v62 =	vld.idx.msk [tilespmem:v24+s6+$0x0], $0xffff  }
0x2c6: {  	v0 =	vmul.f32 v1, v0;
	v1 =	vsub.f32 v52, v43;
	v52 =	vmul.f32 v53, v49;
	v53 =	vld.idx.msk [tilespmem:v54+s6+$0x0], $0xffff  }
0x2c7: {  	v41 =	vnsel vm9, $0x0, v41;
	v54 =	vadd.f32 $1.000000000e+00, v63;
	v55 =	vadd.f32 v39, v60;
	v63 =	vld [tilespmem:$0x1FFF0]  }
0x2c8: {  	v39 =	vsub.f32 v58, v39;
	v1 =	vmul.f32 $9.999999770e-03, v1;
	v58 =	vmul.f32 v52, v59  }
0x2c9: {  	vm13 =	vle.f32 v31, $1.000000000e+01;
	vm14 =	vle.f32 v34, $1.000000000e+01;
	v46 =	vnsel vm11, $0x0, v46  }
0x2ca: {  	v28 =	vld.idx.msk [tilespmem:v61+s19+$0x0], $0xffff;
	v1 =	vadd.f32 v1, v39;
	v39 =	vmul.f32 $7.199822900e+00, v62;
	v58 =	vmul.f32 v58, v52  }
0x2cb: {  	vm12 =	vlt.f32 v43, $5.000000000e+00;
	s31 =	sadd.s32 $0x16, s28;
	v59 =	vmul.f32 $1.919999950e-03, v36;
	v60 =	vmul.f32 v30, v30  }
0x2cc: {  	v61 =	vld.idx.msk [tilespmem:v61+s20+$0x0], $0xffff;
	v49 =	vadd.s32 s31, v63;
	v53 =	vmul.f32 v53, v39;
	v39 =	vsub.f32 $1.500000000e+00, v58  }
0x2cd: {  	v54 =	vnsel vm12, $0x0, v54;
	v59 =	vsub.f32 $2.400000020e-02, v59;
	v62 =	vadd.f32 $1.000000000e+00, v60  }
0x2ce: {  	v55 =	vadd.f32 $-2.000000030e-01, v55;
	v1 =	vmul.f32 v1, v54;
	v52 =	vmul.f32 v39, v52  }
0x2cf: {  	v40 =	vnsel vm13, $0x0, v40;
	v63 =	vmul.f32 v59, v36;
	v58 =	vmul.f32 v62, v60  }
0x2d0: {  	vm4 =	vle.f32 v37, $1.000000000e+01;
	v1 =	vadd.f32 v1, v55;
	v55 =	vmul.f32 v52, v36  }
0x2d1: {  	v54 =	vadd.f32 $-7.999999820e-02, v63;
	v63 =	vshrl.u32 v58, $0x1;
	v58 =	vmul.f32 $5.000000000e-01, v58;
	v39 =	vld.idx.msk [tilespmem:v49+s18+$0x0], $0xffff  }
0x2d2: {  	vm15 =	vle.f32 v35, $1.000000000e+01;
	v31 =	vld.idx.msk [tilespmem:v28+s6+$0x0], $0xffff;
	v59 =	vsub.s32 $0x5F3759DF, v63;
	v34 =	vmul.f32 v55, v57  }
0x2d3: {  	vm5 =	vle.f32 v42, $1.000000000e+01;
	v56 =	vmul.f32 v56, v36;
	v63 =	vmul.f32 v59, v58  }
0x2d4: {  	v1 =	vmul.f32 v1, v53;
	v53 =	vld.idx.msk [tilespmem:v61+s6+$0x0], $0xffff;
	v61 =	vmul.f32 v34, v52;
	v34 =	vsub.f32 v34, v36  }
0x2d5: {  	v48 =	vnsel vm14, $0x0, v48;
	v54 =	vmul.f32 v54, v56;
	v56 =	vmul.f32 v59, v63  }
0x2d6: {  	v57 =	vmul.f32 v39, v39;
	v55 =	vsub.f32 v55, v61;
	v34 =	vmul.f32 $9.999999770e-03, v34  }
0x2d7: {  	v31 =	vmul.f32 $7.199822900e+00, v31;
	v54 =	vadd.f32 $1.000000000e+00, v54;
	v56 =	vsub.f32 $1.500000000e+00, v56  }
0x2d8: {  	vm2 =	vlt.f32 v36, $5.000000000e+00;
	v52 =	vadd.f32 $1.000000000e+00, v57;
	v34 =	vadd.f32 v34, v55  }
0x2d9: {  	v54 =	vnsel vm2, $0x0, v54;
	v35 =	vmul.f32 v59, v56;
	v55 =	vmul.f32 v53, v31;
	v53 =	vld [tilespmem:$0x1FFF0]  }
0x2da: {  	v47 =	vnsel vm15, $0x0, v47;
	v56 =	vmul.f32 v52, v57;
	v34 =	vmul.f32 v34, v54;
	v54 =	vld [tilespmem:$0x1FFF0]  }
0x2db: {  	vm6 =	vle.f32 v43, $1.000000000e+01;
	vm11 =	vle.f32 v36, $1.000000000e+01;
	v37 =	vnsel vm4, $0x0, v51  }
0x2dc: {  	v59 =	vmul.f32 $9.999999770e-03, v36;
	v63 =	vshrl.u32 v56, $0x1;
	v56 =	vmul.f32 $5.000000000e-01, v56  }
0x2dd: {  	[tilespmem:v2+s22+$0x0] =	vst.idx.add.f32.msk $0xffff, v6;
	s30 =	sadd.s32 $0x17, s28;
	v2 =	vnsel vm5, $0x0, v0;
	v31 =	vmul.f32 v35, v58;
	v63 =	vsub.s32 $0x5F3759DF, v63  }
0x2de: {  	s31 =	sadd.s32 $0x18, s28;
	v59 =	vadd.f32 v61, v59;
	v53 =	vadd.s32 s30, v53;
	v61 =	vmul.f32 v63, v56  }
0x2df: {  	v58 =	vmul.f32 $1.919999950e-03, v30;
	v31 =	vmul.f32 v31, v35;
	v54 =	vadd.s32 s31, v54  }
0x2e0: {  	[tilespmem:v5+s22+$0x0] =	vst.idx.add.f32.msk $0xffff, v15;
	v5 =	vmul.f32 $9.999999770e-03, v30;
	v59 =	vadd.f32 $-2.000000030e-01, v59;
	v61 =	vmul.f32 v63, v61  }
0x2e1: {  	vm7 =	vlt.f32 v30, $5.000000000e+00;
	v58 =	vsub.f32 $2.400000020e-02, v58;
	v31 =	vsub.f32 $1.500000000e+00, v31  }
0x2e2: {  	v0 =	vmul.f32 $1.919999950e-03, v39;
	v59 =	vadd.f32 v34, v59;
	v34 =	vsub.f32 $1.500000000e+00, v61  }
0x2e3: {  	vm12 =	vle.f32 v30, $1.000000000e+01;
	v58 =	vmul.f32 v58, v30;
	v35 =	vmul.f32 v31, v35;
	v31 =	vld.idx.msk [tilespmem:v53+s18+$0x0], $0xffff  }
0x2e4: {  	v60 =	vmul.f32 v60, v30;
	v0 =	vsub.f32 $2.400000020e-02, v0;
	v63 =	vmul.f32 v63, v34;
	v34 =	vld.idx.msk [tilespmem:v54+s18+$0x0], $0xffff  }
0x2e5: {  	v1 =	vnsel vm6, $0x0, v1;
	v58 =	vadd.f32 $-7.999999820e-02, v58;
	v61 =	vmul.f32 v35, v30  }
0x2e6: {  	[tilespmem:v17+s22+$0x0] =	vst.idx.add.f32.msk $0xffff, v45;
	vm8 =	vlt.f32 v39, $5.000000000e+00;
	v45 =	vmul.f32 $9.999999770e-03, v39;
	v0 =	vmul.f32 v0, v39  }
0x2e7: {  	[tilespmem:v3+s22+$0x0] =	vst.idx.add.f32.msk $0xffff, v10;
	vm13 =	vle.f32 v39, $1.000000000e+01;
	v58 =	vmul.f32 v58, v60;
	v60 =	vmul.f32 v61, v62  }
0x2e8: {  	[tilespmem:v4+s22+$0x0] =	vst.idx.add.f32.msk $0xffff, v11;
	v0 =	vadd.f32 $-7.999999820e-02, v0;
	v62 =	vmul.f32 v63, v56;
	v10 =	vmul.f32 v31, v31  }
0x2e9: {  	v55 =	vmul.f32 v59, v55;
	v3 =	vsub.f32 v60, v30;
	v11 =	vmul.f32 v34, v34  }
0x2ea: {  	[tilespmem:v7+s22+$0x0] =	vst.idx.add.f32.msk $0xffff, v18;
	v35 =	vmul.f32 v60, v35;
	v42 =	vmul.f32 v62, v63;
	v4 =	vadd.f32 $1.000000000e+00, v10  }
0x2eb: {  	[tilespmem:v8+s22+$0x0] =	vst.idx.add.f32.msk $0xffff, v20;
	v56 =	vmul.f32 v57, v39;
	v15 =	vmul.f32 $9.999999770e-03, v3;
	v7 =	vadd.f32 $1.000000000e+00, v11  }
0x2ec: {  	[tilespmem:v9+s22+$0x0] =	vst.idx.add.f32.msk $0xffff, v21;
	v60 =	vmul.f32 $1.919999950e-03, v31;
	v3 =	vsub.f32 $1.500000000e+00, v42;
	v51 =	vmul.f32 v4, v10  }
0x2ed: {  	[tilespmem:v25+s22+$0x0] =	vst.idx.add.f32.msk $0xffff, v2;
	v2 =	vnsel vm11, $0x0, v55;
	v0 =	vmul.f32 v0, v56;
	v59 =	vmul.f32 v7, v11  }
0x2ee: {  	[tilespmem:v12+s22+$0x0] =	vst.idx.add.f32.msk $0xffff, v26;
	v8 =	vmul.f32 v3, v63;
	v57 =	vshrl.u32 v51, $0x1;
	v6 =	vmul.f32 $5.000000000e-01, v51  }
0x2ef: {  	v3 =	vld.idx.msk [tilespmem:v50+s19+$0x0], $0xffff;
	v9 =	vsub.s32 $0x5F3759DF, v57;
	v62 =	vshrl.u32 v59, $0x1;
	v63 =	vmul.f32 $5.000000000e-01, v59  }
0x2f0: {  	[tilespmem:v19+s22+$0x0] =	vst.idx.add.f32.msk $0xffff, v41;
	v5 =	vadd.f32 v35, v5;
	v43 =	vmul.f32 v9, v6;
	v12 =	vsub.s32 $0x5F3759DF, v62  }
0x2f1: {  	v35 =	vsub.f32 v61, v35;
	vm9 =	vlt.f32 v31, $5.000000000e+00;
	v51 =	vld.idx.msk [tilespmem:v50+s20+$0x0], $0xffff;
	v56 =	vmul.f32 v12, v63  }
0x2f2: {  	[tilespmem:v13+s22+$0x0] =	vst.idx.add.f32.msk $0xffff, v32;
	v42 =	vmul.f32 $1.919999950e-03, v34;
	v20 =	vsub.f32 $2.400000020e-02, v60;
	v13 =	vmul.f32 v9, v43  }
0x2f3: {  	v41 =	vld.idx.msk [tilespmem:v54+s19+$0x0], $0xffff;
	v15 =	vadd.f32 v15, v35;
	v60 =	vadd.f32 $1.000000000e+00, v58;
	v18 =	vmul.f32 v12, v56  }
0x2f4: {  	[tilespmem:v14+s22+$0x0] =	vst.idx.add.f32.msk $0xffff, v38;
	v0 =	vadd.f32 $1.000000000e+00, v0;
	vm10 =	vlt.f32 v34, $5.000000000e+00;
	v13 =	vsub.f32 $1.500000000e+00, v13  }
0x2f5: {  	v38 =	vld.idx.msk [tilespmem:v53+s19+$0x0], $0xffff;
	v26 =	vsub.f32 $2.400000020e-02, v42;
	v20 =	vmul.f32 v20, v31;
	v18 =	vsub.f32 $1.500000000e+00, v18  }
0x2f6: {  	[tilespmem:v23+s22+$0x0] =	vst.idx.add.f32.msk $0xffff, v40;
	v5 =	vadd.f32 $-2.000000030e-01, v5;
	v10 =	vmul.f32 v10, v31;
	v9 =	vmul.f32 v9, v13  }
0x2f7: {  	v14 =	vnsel vm7, $0x0, v60;
	v26 =	vmul.f32 v26, v34;
	v59 =	vld.idx.msk [tilespmem:v3+s6+$0x0], $0xffff;
	v12 =	vmul.f32 v12, v18  }
0x2f8: {  	v32 =	vld.idx.msk [tilespmem:v49+s20+$0x0], $0xffff;
	v40 =	vmul.f32 v15, v14;
	v57 =	vadd.f32 $-7.999999820e-02, v20;
	v6 =	vmul.f32 v9, v6  }
0x2f9: {  	v11 =	vmul.f32 v11, v34;
	v26 =	vadd.f32 $-7.999999820e-02, v26;
	v61 =	vld.idx.msk [tilespmem:v51+s6+$0x0], $0xffff;
	v18 =	vmul.f32 v12, v63  }
0x2fa: {  	v0 =	vnsel vm8, $0x0, v0;
	v10 =	vmul.f32 v57, v10;
	v13 =	vld.idx.msk [tilespmem:v49+s19+$0x0], $0xffff;
	v6 =	vmul.f32 v6, v9  }
0x2fb: {  	v5 =	vadd.f32 v40, v5;
	v57 =	vld.idx.msk [tilespmem:v41+s6+$0x0], $0xffff;
	v11 =	vmul.f32 v26, v11;
	v18 =	vmul.f32 v18, v12  }
0x2fc: {  	v43 =	vld.idx.msk [tilespmem:v53+s20+$0x0], $0xffff;
	v56 =	vmul.f32 $9.999999770e-03, v31;
	v62 =	vmul.f32 $7.199822900e+00, v59;
	v6 =	vsub.f32 $1.500000000e+00, v6  }
0x2fd: {  	v53 =	vld.idx.msk [tilespmem:v38+s6+$0x0], $0xffff;
	v59 =	vmul.f32 $9.999999770e-03, v34;
	v63 =	vmul.f32 v8, v39;
	v18 =	vsub.f32 $1.500000000e+00, v18  }
0x2fe: {  	[tilespmem:v16+s22+$0x0] =	vst.idx.add.f32.msk $0xffff, v44;
	v10 =	vadd.f32 $1.000000000e+00, v10;
	v16 =	vmul.f32 v61, v62;
	v6 =	vmul.f32 v6, v9  }
0x2ff: {  	[tilespmem:v22+s22+$0x0] =	vst.idx.add.f32.msk $0xffff, v46;
	v11 =	vadd.f32 $1.000000000e+00, v11;
	v36 =	vmul.f32 v63, v52;
	v12 =	vmul.f32 v18, v12  }
0x300: {  	v46 =	vld.idx.msk [tilespmem:v54+s20+$0x0], $0xffff;
	v10 =	vnsel vm9, $0x0, v10;
	v62 =	vmul.f32 $7.199822900e+00, v57;
	v44 =	vmul.f32 v6, v31  }
0x301: {  	v8 =	vmul.f32 v36, v8;
	v42 =	vsub.f32 v36, v39;
	v49 =	vmul.f32 v12, v34  }
0x302: {  	v11 =	vnsel vm10, $0x0, v11;
	v35 =	vld.idx.msk [tilespmem:v13+s6+$0x0], $0xffff;
	v9 =	vmul.f32 $7.199822900e+00, v53;
	v4 =	vmul.f32 v44, v4  }
0x303: {  	[tilespmem:v27+s22+$0x0] =	vst.idx.add.f32.msk $0xffff, v48;
	v19 =	vsub.f32 v63, v8;
	v15 =	vmul.f32 $9.999999770e-03, v42;
	v7 =	vmul.f32 v49, v7  }
0x304: {  	v51 =	vld.idx.msk [tilespmem:v32+s6+$0x0], $0xffff;
	v8 =	vadd.f32 v8, v45;
	v6 =	vmul.f32 v4, v6;
	v4 =	vsub.f32 v4, v31  }
0x305: {  	v50 =	vadd.f32 v15, v19;
	v12 =	vmul.f32 v7, v12;
	v7 =	vsub.f32 v7, v34  }
0x306: {  	[tilespmem:v29+s22+$0x0] =	vst.idx.add.f32.msk $0xffff, v47;
	v8 =	vadd.f32 $-2.000000030e-01, v8;
	v54 =	vsub.f32 v44, v6;
	v4 =	vmul.f32 $9.999999770e-03, v4  }
0x307: {  	v18 =	vld.idx.msk [tilespmem:v43+s6+$0x0], $0xffff;
	v52 =	vmul.f32 $7.199822900e+00, v35;
	v58 =	vsub.f32 v49, v12;
	v7 =	vmul.f32 $9.999999770e-03, v7  }
0x308: {  	v60 =	vld.idx.msk [tilespmem:v46+s6+$0x0], $0xffff;
	v0 =	vmul.f32 v50, v0;
	v6 =	vadd.f32 v6, v56;
	v4 =	vadd.f32 v4, v54  }
0x309: {  	v15 =	vmul.f32 v51, v52;
	v61 =	vadd.f32 v12, v59;
	v7 =	vadd.f32 v7, v58  }
0x30a: {  	[tilespmem:v33+s22+$0x0] =	vst.idx.add.f32.msk $0xffff, v37;
	v0 =	vadd.f32 v0, v8;
	v6 =	vadd.f32 $-2.000000030e-01, v6;
	v4 =	vmul.f32 v4, v10  }
0x30b: {  	[tilespmem:v24+s22+$0x0] =	vst.idx.add.f32.msk $0xffff, v1;
	v5 =	vmul.f32 v5, v16;
	v8 =	vadd.f32 $-2.000000030e-01, v61;
	v7 =	vmul.f32 v7, v11  }
0x30c: {  	v1 =	vmul.f32 v18, v9;
	v0 =	vmul.f32 v0, v15;
	v4 =	vadd.f32 v4, v6  }
0x30d: {  	p0 =	slt.u32 s28, $0x64;
	[tilespmem:v28+s22+$0x0] =	vst.idx.add.f32.msk $0xffff, v2;
	v2 =	vnsel vm12, $0x0, v5;
	v63 =	vmul.f32 v60, v62;
	v7 =	vadd.f32 v7, v8  }
.Ltmp2:
0x30e: {  	[tilespmem:v3+s22+$0x0] =	vst.idx.add.f32.msk $0xffff, v2;
	v0 =	vnsel vm13, $0x0, v0;
	v1 =	vmul.f32 v4, v1;
	(pc) =	sbr.rel @p0 .LBB2_7-.Ltmp2, $4  }
0x30f: {  	vm14 =	vle.f32 v31, $1.000000000e+01;
	[tilespmem:v13+s22+$0x0] =	vst.idx.add.f32.msk $0xffff, v0;
	v2 =	vmul.f32 v7, v63  }
0x310: {  	vm15 =	vle.f32 v34, $1.000000000e+01;
	v0 =	vnsel vm14, $0x0, v1;
	v1 =	vld [tilespmem:$0x1FFF0]  }
0x311: {  	[tilespmem:v38+s22+$0x0] =	vst.idx.add.f32.msk $0xffff, v0;
	v0 =	vnsel vm15, $0x0, v2  }
0x312: {  	s28 =	sadd.s32 $0x19, s28;
	[tilespmem:v41+s22+$0x0] =	vst.idx.add.f32.msk $0xffff, v0  }
0x313: {  	s26 =	sadd.s32 $0x1, s26  }
0x314: {  	p0 =	sne.s32 s26, $0x19  }
.Ltmp3:
0x315: {  	_ = 	snop;
	(pc) =	sbr.rel @p0 .LBB2_4-.Ltmp3, $1  }
0x316: {  	_ =	sdelay $0x3  }
0x317: {  	_ =	strace $0x9000004A;
	s24 =	sadd.s32 $0x1, s24  }
0x318: {  	_ =	strace $0x8000004B;
	p0 =	sne.s32 s24, s13  }
0x319: {  	[hbm4b:s12+s6] =	stream.linear.scatter [tilespmem:s22], [sflag:$0x3], $0xC800, $0x200038;
	[tilespmem:$0x1BB80] =	vst v63  }
.Ltmp4:
0x31a: {  	_ = 	snop;
	(pc) =	sbr.rel @p0 .LBB2_1-.Ltmp4, $4  }
0x31b: {  	_ =	swait.ge [sflag:s14], $0xC800  }
0x31c: {  	[sflag:s14] =	ssyncset.done $0x0  }
0x31d: {  	[sflag:s14] =	ssyncadd.s32 $0xFFFF3800  }
0x31e: {  	v0 =	vimm.f32 $0.0e+00;
	_ =	strace $0x9000004B  }
0x31f: {  	_ =	sfence.sel $0x180000  }
0x320: {  	[bflag:$0x0] =	sbarrier.arrive $0xFFFF  }
0x321: {  	p0 =	sne.s32 s0, $0x0;
	_ =	strace $0x90000047  }
0x322: {  	s0 =	sadd.s32 @!p0 $0x100000, s4;
	[bflag:$0x2] =	sbarrier.arrive $0xFFFF  }
0x323: {  	[sflag:s0] =	ssyncadd.tile.s32 @!p0 $0x1;
	_ =	shalt  }
.Lfunc_end2:
_tile_overlayer_lowered:
.L_overlay_start_2:
0x324: {  	(tag) =	ssettag $0x2  }
0x325: {  	s0 =	rddreg [dreg:$0x0];
	s2 =	stileid.u32  }
0x326: {  	s1 =	rddreg [dreg:$0x1];
	p0 =	sne.s32 s2, $0x0  }
0x327: {  	s3 =	rddreg [dreg:$0x2];
	[bflag:$0x3] =	sbarrier.arrive $0xFFFF;
	s2 =	simm.s32 @!p0 $0x1C03  }
0x328: {  	[timem:s3], [sflag:s2] =	dma.local @!p0 [hbm:s0], s1  }
0x329: {  	s0 =	simm.s32 @!p0 $0x3  }
0x32a: {  	_ =	swait.ge @!p0 [sflag:s0], s1  }
0x32b: {  	s1 =	ssub.s32 @!p0 $0x0, s1;
	[sflag:s0] =	ssyncset.done @!p0 $0x0  }
0x32c: {  	[sflag:s0] =	ssyncadd.s32 @!p0 s1  }
0x32d: {  	[bflag:$0x3] =	sbarrier.arrive $0xFFFF  }
0x32e: {  	_ =	shalt  }

</sc_bundles>
